<compile_context>
chip_gen: v7x
topology: tpu7x:2x2x1
jax: 0.10.2.dev20260603
libtpu: 0.0.44.dev20260713+nightly
codegen_flags: <defaults>
</compile_context>

<pallas_src>
import functools

import jax
import jax.numpy as jnp
from jax import lax
from jax.experimental import pallas as pl
from jax.experimental.pallas import tpu as pltpu
from jax.experimental.pallas import tpu_sc as plsc

M = 1_000_000
N = 1_000_000
R = 16
B_IDS = 16384
ROWS_PER_SUPER = 128 // R

_info = plsc.get_sparse_core_info()
NC, NS, L = _info.num_cores, _info.num_subcores, _info.num_lanes
NW = NC * NS
BPW = B_IDS // NW
CH = 256
NCH = BPW // CH


def _make_kernel():
    mesh = plsc.VectorSubcoreMesh(core_axis_name="c", subcore_axis_name="s")

    @functools.partial(
        pl.kernel,
        mesh=mesh,
        out_type=jax.ShapeDtypeStruct((B_IDS,), jnp.float32),
        scratch_types=[
            pltpu.VMEM((BPW,), jnp.int32),
            pltpu.VMEM((BPW,), jnp.int32),
            pltpu.VMEM((BPW,), jnp.int32),
            pltpu.VMEM((BPW,), jnp.int32),
            pltpu.VMEM((CH, 128), jnp.float32),
            pltpu.VMEM((CH, 128), jnp.float32),
            pltpu.VMEM((BPW,), jnp.float32),
            pltpu.SemaphoreType.DMA,
            pltpu.SemaphoreType.DMA,
        ],
        compiler_params=pltpu.CompilerParams(
            needs_layout_passes=False, use_tc_tiling_on_sc=True
        ),
    )
    def k(ids0_hbm, ids1_hbm, ids0s_hbm, ids1s_hbm, a_hbm, b_hbm, out_hbm,
          idx_a, idx_b, idx_a_s, idx_b_s, a_buf, b_buf, out_v, sem_a, sem_b):
        wid = lax.axis_index("s") * NC + lax.axis_index("c")
        base = wid * BPW
        pltpu.sync_copy(ids0_hbm.at[pl.ds(base, BPW)], idx_a)
        pltpu.sync_copy(ids1_hbm.at[pl.ds(base, BPW)], idx_b)
        pltpu.sync_copy(ids0s_hbm.at[pl.ds(base, BPW)], idx_a_s)
        pltpu.sync_copy(ids1s_hbm.at[pl.ds(base, BPW)], idx_b_s)

        for c in range(NCH):
            ca = pltpu.async_copy(
                a_hbm.at[idx_a_s.at[pl.ds(c * CH, CH)]], a_buf, sem_a)
            cb = pltpu.async_copy(
                b_hbm.at[idx_b_s.at[pl.ds(c * CH, CH)]], b_buf, sem_b)
            ca.wait()
            cb.wait()

            def body(g, carry, c=c):
                i0 = g * L
                row_ix = i0 + lax.iota(jnp.int32, L)
                ida = idx_a[pl.ds(c * CH + i0, L)]
                idb = idx_b[pl.ds(c * CH + i0, L)]
                cola = (ida & (ROWS_PER_SUPER - 1)) * R
                colb = (idb & (ROWS_PER_SUPER - 1)) * R
                acc = jnp.zeros((L,), jnp.float32)
                for r in range(R):
                    va = plsc.load_gather(a_buf, [row_ix, cola + r])
                    vb = plsc.load_gather(b_buf, [row_ix, colb + r])
                    acc = acc + va * vb
                out_v[pl.ds(c * CH + i0, L)] = acc
                return carry

            lax.fori_loop(0, CH // L, body, 0)

        pltpu.sync_copy(out_v, out_hbm.at[pl.ds(base, BPW)])

    return k


_sc_kernel = _make_kernel()


@jax.jit
def kernel(ids, A, B):
    ids0 = ids[0].astype(jnp.int32)
    ids1 = ids[1].astype(jnp.int32)
    a2 = A.reshape(M // ROWS_PER_SUPER, 128)
    b2 = B.reshape(N // ROWS_PER_SUPER, 128)
    return _sc_kernel(ids0, ids1, ids0 >> 3, ids1 >> 3, a2, b2)

# --- scband reference (transcript-rebuilt; emitter-appended) ---
"""Pipeline reference for scband-factorization-89532888252857 (READ-ONLY COPY).

The authoritative reference and input builder live on the scoring server;
editing this copy changes nothing except your own understanding.
"""

import jax, jax.numpy as jnp
import numpy as np

M = 1000000
N = 1000000
R = 16
B_IDS = 16384

def setup_inputs(seed: int = 0) -> dict:
    key = jax.random.key(seed)
    k1, k2, k3 = jax.random.split(key, 3)
    ids = jax.random.randint(k1, (2, B_IDS), 0, min(M, N), dtype=jnp.int64)
    A = jax.random.uniform(k2, (M, R), dtype=jnp.float32) * 0.1
    B = jax.random.uniform(k3, (N, R), dtype=jnp.float32) * 0.1
    return {"ids": ids, "A": A, "B": B}

def reference(ids, A, B):
    # Faithful translation of Factorization.forward with ids provided:
    # Asub = A[ids[0], :]; Bsub = B[ids[1], :]; P = sum(Asub * Bsub, dim=1)
    Asub = jnp.take(A, ids[0], axis=0)
    Bsub = jnp.take(B, ids[1], axis=0)
    P = jnp.sum(Asub * Bsub, axis=1)
    return P

if __name__ == "__main__":
    import jax
    _d = setup_inputs()
    print(jax.jit(kernel)(*tuple(_d.values())))

</pallas_src>

<mosaic_0001>
#map = affine_map<(d0, d1) -> (0)>
#map1 = affine_map<(d0, d1) -> (0, 0)>
module attributes {stable_mosaic.version = 14 : i64} {
  func.func @k(%arg0: i32, %arg1: i32, %arg2: memref<16384xi32, #tpu.memory_space<hbm>>, %arg3: memref<16384xi32, #tpu.memory_space<hbm>>, %arg4: memref<16384xi32, #tpu.memory_space<hbm>>, %arg5: memref<16384xi32, #tpu.memory_space<hbm>>, %arg6: memref<125000x128xf32, #tpu.memory_space<hbm>>, %arg7: memref<125000x128xf32, #tpu.memory_space<hbm>>, %arg8: memref<16384xf32, #tpu.memory_space<hbm>>, %arg9: memref<512xi32, #tpu.memory_space<vmem>>, %arg10: memref<512xi32, #tpu.memory_space<vmem>>, %arg11: memref<512xi32, #tpu.memory_space<vmem>>, %arg12: memref<512xi32, #tpu.memory_space<vmem>>, %arg13: memref<256x128xf32, #tpu.memory_space<vmem>>, %arg14: memref<256x128xf32, #tpu.memory_space<vmem>>, %arg15: memref<512xf32, #tpu.memory_space<vmem>>, %arg16: memref<!tpu.dma_semaphore, #tpu.memory_space<semaphore_mem>>, %arg17: memref<!tpu.dma_semaphore, #tpu.memory_space<semaphore_mem>>) attributes {dimension_semantics = [#tpu.dimension_semantics<core_parallel>, #tpu.dimension_semantics<subcore_parallel>], iteration_bounds = array<i64: 2, 16>, scalar_prefetch = 0 : i64, scratch_operands = 9 : i64, tpu.core_type = #tpu.core_type<sc_vector_subcore>, window_params = [{transform_indices = #map}, {transform_indices = #map}, {transform_indices = #map}, {transform_indices = #map}, {transform_indices = #map1}, {transform_indices = #map1}, {transform_indices = #map}]} {
    %mul3A = arith.constant 2 : i32
    %mul3A_0 = arith.muli %arg1, %mul3A : i32
    %add3A = arith.addi %mul3A_0, %arg0 : i32
    %mul3A_1 = arith.constant 512 : i32
    %mul3A_2 = arith.muli %add3A, %mul3A_1 : i32
    "tpu.region"() ({
      %run_scoped3A = tpu.sem_alloc : memref<!tpu.dma_semaphore, #tpu.memory_space<semaphore_mem>>
      %dma_start3A_52 = tpu.memref_slice %arg2[%mul3A_2] : memref<16384xi32, #tpu.memory_space<hbm>> -> memref<512xi32, #tpu.memory_space<hbm>>
      %dma_start3A_53 = tpu.memref_slice %arg2[%mul3A_2] : memref<16384xi32, #tpu.memory_space<hbm>> -> memref<512xi32, #tpu.memory_space<hbm>>
      tpu.enqueue_dma source(%dma_start3A_53 : memref<512xi32, #tpu.memory_space<hbm>>) target(%arg9 : memref<512xi32, #tpu.memory_space<vmem>>) target_semaphore(%run_scoped3A : memref<!tpu.dma_semaphore, #tpu.memory_space<semaphore_mem>>)
      %dma_wait3A_54 = tpu.memref_slice %arg2[%mul3A_2] : memref<16384xi32, #tpu.memory_space<hbm>> -> memref<512xi32, #tpu.memory_space<hbm>>
      %dma_wait3A_55 = tpu.memref_slice %arg2[%mul3A_2] : memref<16384xi32, #tpu.memory_space<hbm>> -> memref<512xi32, #tpu.memory_space<hbm>>
      tpu.wait_dma2 semaphore(%run_scoped3A : memref<!tpu.dma_semaphore, #tpu.memory_space<semaphore_mem>>) src(%dma_wait3A_55 : memref<512xi32, #tpu.memory_space<hbm>>) dst(%arg9 : memref<512xi32, #tpu.memory_space<vmem>>)
      tpu.yield
    }) : () -> ()
    "tpu.region"() ({
      %run_scoped3A = tpu.sem_alloc : memref<!tpu.dma_semaphore, #tpu.memory_space<semaphore_mem>>
      %dma_start3A_52 = tpu.memref_slice %arg3[%mul3A_2] : memref<16384xi32, #tpu.memory_space<hbm>> -> memref<512xi32, #tpu.memory_space<hbm>>
      %dma_start3A_53 = tpu.memref_slice %arg3[%mul3A_2] : memref<16384xi32, #tpu.memory_space<hbm>> -> memref<512xi32, #tpu.memory_space<hbm>>
      tpu.enqueue_dma source(%dma_start3A_53 : memref<512xi32, #tpu.memory_space<hbm>>) target(%arg10 : memref<512xi32, #tpu.memory_space<vmem>>) target_semaphore(%run_scoped3A : memref<!tpu.dma_semaphore, #tpu.memory_space<semaphore_mem>>)
      %dma_wait3A_54 = tpu.memref_slice %arg3[%mul3A_2] : memref<16384xi32, #tpu.memory_space<hbm>> -> memref<512xi32, #tpu.memory_space<hbm>>
      %dma_wait3A_55 = tpu.memref_slice %arg3[%mul3A_2] : memref<16384xi32, #tpu.memory_space<hbm>> -> memref<512xi32, #tpu.memory_space<hbm>>
      tpu.wait_dma2 semaphore(%run_scoped3A : memref<!tpu.dma_semaphore, #tpu.memory_space<semaphore_mem>>) src(%dma_wait3A_55 : memref<512xi32, #tpu.memory_space<hbm>>) dst(%arg10 : memref<512xi32, #tpu.memory_space<vmem>>)
      tpu.yield
    }) : () -> ()
    "tpu.region"() ({
      %run_scoped3A = tpu.sem_alloc : memref<!tpu.dma_semaphore, #tpu.memory_space<semaphore_mem>>
      %dma_start3A_52 = tpu.memref_slice %arg4[%mul3A_2] : memref<16384xi32, #tpu.memory_space<hbm>> -> memref<512xi32, #tpu.memory_space<hbm>>
      %dma_start3A_53 = tpu.memref_slice %arg4[%mul3A_2] : memref<16384xi32, #tpu.memory_space<hbm>> -> memref<512xi32, #tpu.memory_space<hbm>>
      tpu.enqueue_dma source(%dma_start3A_53 : memref<512xi32, #tpu.memory_space<hbm>>) target(%arg11 : memref<512xi32, #tpu.memory_space<vmem>>) target_semaphore(%run_scoped3A : memref<!tpu.dma_semaphore, #tpu.memory_space<semaphore_mem>>)
      %dma_wait3A_54 = tpu.memref_slice %arg4[%mul3A_2] : memref<16384xi32, #tpu.memory_space<hbm>> -> memref<512xi32, #tpu.memory_space<hbm>>
      %dma_wait3A_55 = tpu.memref_slice %arg4[%mul3A_2] : memref<16384xi32, #tpu.memory_space<hbm>> -> memref<512xi32, #tpu.memory_space<hbm>>
      tpu.wait_dma2 semaphore(%run_scoped3A : memref<!tpu.dma_semaphore, #tpu.memory_space<semaphore_mem>>) src(%dma_wait3A_55 : memref<512xi32, #tpu.memory_space<hbm>>) dst(%arg11 : memref<512xi32, #tpu.memory_space<vmem>>)
      tpu.yield
    }) : () -> ()
    "tpu.region"() ({
      %run_scoped3A = tpu.sem_alloc : memref<!tpu.dma_semaphore, #tpu.memory_space<semaphore_mem>>
      %dma_start3A_52 = tpu.memref_slice %arg5[%mul3A_2] : memref<16384xi32, #tpu.memory_space<hbm>> -> memref<512xi32, #tpu.memory_space<hbm>>
      %dma_start3A_53 = tpu.memref_slice %arg5[%mul3A_2] : memref<16384xi32, #tpu.memory_space<hbm>> -> memref<512xi32, #tpu.memory_space<hbm>>
      tpu.enqueue_dma source(%dma_start3A_53 : memref<512xi32, #tpu.memory_space<hbm>>) target(%arg12 : memref<512xi32, #tpu.memory_space<vmem>>) target_semaphore(%run_scoped3A : memref<!tpu.dma_semaphore, #tpu.memory_space<semaphore_mem>>)
      %dma_wait3A_54 = tpu.memref_slice %arg5[%mul3A_2] : memref<16384xi32, #tpu.memory_space<hbm>> -> memref<512xi32, #tpu.memory_space<hbm>>
      %dma_wait3A_55 = tpu.memref_slice %arg5[%mul3A_2] : memref<16384xi32, #tpu.memory_space<hbm>> -> memref<512xi32, #tpu.memory_space<hbm>>
      tpu.wait_dma2 semaphore(%run_scoped3A : memref<!tpu.dma_semaphore, #tpu.memory_space<semaphore_mem>>) src(%dma_wait3A_55 : memref<512xi32, #tpu.memory_space<hbm>>) dst(%arg12 : memref<512xi32, #tpu.memory_space<vmem>>)
      tpu.yield
    }) : () -> ()
    %dma_start3A = arith.constant 0 : i32
    %dma_start3A_3 = tpu.memref_slice %arg11[%dma_start3A] : memref<512xi32, #tpu.memory_space<vmem>> -> memref<256xi32, #tpu.memory_space<vmem>>
    %dma_start3A_4 = arith.constant 0 : i32
    %dma_start3A_5 = arith.constant 0 : i32
    %dma_start3A_6 = tpu.memref_slice %arg6[%dma_start3A_4, %dma_start3A_5] : memref<125000x128xf32, #tpu.memory_space<hbm>> -> memref<125000x128xf32, #tpu.memory_space<hbm>>
    tpu.enqueue_indirect_dma source(%dma_start3A_6 : memref<125000x128xf32, #tpu.memory_space<hbm>>) target(%arg13 : memref<256x128xf32, #tpu.memory_space<vmem>>) offsets(%dma_start3A_3 : memref<256xi32, #tpu.memory_space<vmem>>) semaphore(%arg16 : memref<!tpu.dma_semaphore, #tpu.memory_space<semaphore_mem>>)
    %dma_start3A_7 = arith.constant 0 : i32
    %dma_start3A_8 = tpu.memref_slice %arg12[%dma_start3A_7] : memref<512xi32, #tpu.memory_space<vmem>> -> memref<256xi32, #tpu.memory_space<vmem>>
    %dma_start3A_9 = arith.constant 0 : i32
    %dma_start3A_10 = arith.constant 0 : i32
    %dma_start3A_11 = tpu.memref_slice %arg7[%dma_start3A_9, %dma_start3A_10] : memref<125000x128xf32, #tpu.memory_space<hbm>> -> memref<125000x128xf32, #tpu.memory_space<hbm>>
    tpu.enqueue_indirect_dma source(%dma_start3A_11 : memref<125000x128xf32, #tpu.memory_space<hbm>>) target(%arg14 : memref<256x128xf32, #tpu.memory_space<vmem>>) offsets(%dma_start3A_8 : memref<256xi32, #tpu.memory_space<vmem>>) semaphore(%arg17 : memref<!tpu.dma_semaphore, #tpu.memory_space<semaphore_mem>>)
    %dma_wait3A = arith.constant 0 : i32
    %dma_wait3A_12 = tpu.memref_slice %arg11[%dma_wait3A] : memref<512xi32, #tpu.memory_space<vmem>> -> memref<256xi32, #tpu.memory_space<vmem>>
    %dma_wait3A_13 = arith.constant 0 : i32
    %dma_wait3A_14 = arith.constant 0 : i32
    %dma_wait3A_15 = tpu.memref_slice %arg6[%dma_wait3A_13, %dma_wait3A_14] : memref<125000x128xf32, #tpu.memory_space<hbm>> -> memref<125000x128xf32, #tpu.memory_space<hbm>>
    tpu.wait_indirect_dma semaphore(%arg16 : memref<!tpu.dma_semaphore, #tpu.memory_space<semaphore_mem>>) src(%dma_wait3A_15 : memref<125000x128xf32, #tpu.memory_space<hbm>>) dst(%arg13 : memref<256x128xf32, #tpu.memory_space<vmem>>)
    %dma_wait3A_16 = arith.constant 0 : i32
    %dma_wait3A_17 = tpu.memref_slice %arg12[%dma_wait3A_16] : memref<512xi32, #tpu.memory_space<vmem>> -> memref<256xi32, #tpu.memory_space<vmem>>
    %dma_wait3A_18 = arith.constant 0 : i32
    %dma_wait3A_19 = arith.constant 0 : i32
    %dma_wait3A_20 = tpu.memref_slice %arg7[%dma_wait3A_18, %dma_wait3A_19] : memref<125000x128xf32, #tpu.memory_space<hbm>> -> memref<125000x128xf32, #tpu.memory_space<hbm>>
    tpu.wait_indirect_dma semaphore(%arg17 : memref<!tpu.dma_semaphore, #tpu.memory_space<semaphore_mem>>) src(%dma_wait3A_20 : memref<125000x128xf32, #tpu.memory_space<hbm>>) dst(%arg14 : memref<256x128xf32, #tpu.memory_space<vmem>>)
    %scan3A = arith.constant 0 : i32
    %scan3A_21 = arith.constant 0 : i32
    %scan3A_22 = arith.constant 16 : i32
    %scan3A_23 = arith.addi %scan3A_21, %scan3A_22 : i32
    %scan3A_24 = arith.constant 1 : i32
    scf.for %scan3A_52 = %scan3A_21 to %scan3A_23 step %scan3A_24  : i32 {
      %mul3A_53 = arith.constant 16 : i32
      %mul3A_54 = arith.muli %scan3A_52, %mul3A_53 : i32
      %iota3A = tpu.iota {dimensions = array<i32: 0>} : vector<16xi32>
      %add3A_55 = vector.broadcast %mul3A_54 : i32 to vector<16xi32>
      %add3A_56 = arith.addi %add3A_55, %iota3A : vector<16xi32>
      %add3A_57 = arith.constant 0 : i32
      %add3A_58 = arith.addi %add3A_57, %mul3A_54 : i32
      %get3A = arith.index_cast %add3A_58 : i32 to index
      %get3A_59 = tpu.vector_load %arg9[%get3A] {strides = array<i32>} : memref<512xi32, #tpu.memory_space<vmem>>, vector<16xi32>,
      %add3A_60 = arith.constant 0 : i32
      %add3A_61 = arith.addi %add3A_60, %mul3A_54 : i32
      %get3A_62 = arith.index_cast %add3A_61 : i32 to index
      %get3A_63 = tpu.vector_load %arg10[%get3A_62] {strides = array<i32>} : memref<512xi32, #tpu.memory_space<vmem>>, vector<16xi32>,
      %and3A = arith.constant 7 : i32
      %and3A_64 = vector.broadcast %and3A : i32 to vector<16xi32>
      %and3A_65 = arith.andi %get3A_59, %and3A_64 : vector<16xi32>
      %mul3A_66 = arith.constant 16 : i32
      %mul3A_67 = vector.broadcast %mul3A_66 : i32 to vector<16xi32>
      %mul3A_68 = arith.muli %and3A_65, %mul3A_67 : vector<16xi32>
      %and3A_69 = arith.constant 7 : i32
      %and3A_70 = vector.broadcast %and3A_69 : i32 to vector<16xi32>
      %and3A_71 = arith.andi %get3A_63, %and3A_70 : vector<16xi32>
      %mul3A_72 = arith.constant 16 : i32
      %mul3A_73 = vector.broadcast %mul3A_72 : i32 to vector<16xi32>
      %mul3A_74 = arith.muli %and3A_71, %mul3A_73 : vector<16xi32>
      %broadcast_in_dim3A = arith.constant 0.000000e+00 : f32
      %broadcast_in_dim3A_75 = vector.broadcast %broadcast_in_dim3A : f32 to vector<16xf32>
      %add3A_76 = arith.constant 0 : i32
      %add3A_77 = vector.broadcast %add3A_76 : i32 to vector<16xi32>
      %add3A_78 = arith.addi %mul3A_68, %add3A_77 : vector<16xi32>
      %gather3A = tpu.vector_load_idx %arg13[%add3A_56, %add3A_78] : memref<256x128xf32, #tpu.memory_space<vmem>>[vector<16xi32>, vector<16xi32>], vector<16xf32>,
      %add3A_79 = arith.constant 0 : i32
      %add3A_80 = vector.broadcast %add3A_79 : i32 to vector<16xi32>
      %add3A_81 = arith.addi %mul3A_74, %add3A_80 : vector<16xi32>
      %gather3A_82 = tpu.vector_load_idx %arg14[%add3A_56, %add3A_81] : memref<256x128xf32, #tpu.memory_space<vmem>>[vector<16xi32>, vector<16xi32>], vector<16xf32>,
      %mul3A_83 = arith.mulf %gather3A, %gather3A_82 : vector<16xf32>
      %add3A_84 = arith.addf %broadcast_in_dim3A_75, %mul3A_83 : vector<16xf32>
      %add3A_85 = arith.constant 1 : i32
      %add3A_86 = vector.broadcast %add3A_85 : i32 to vector<16xi32>
      %add3A_87 = arith.addi %mul3A_68, %add3A_86 : vector<16xi32>
      %gather3A_88 = tpu.vector_load_idx %arg13[%add3A_56, %add3A_87] : memref<256x128xf32, #tpu.memory_space<vmem>>[vector<16xi32>, vector<16xi32>], vector<16xf32>,
      %add3A_89 = arith.constant 1 : i32
      %add3A_90 = vector.broadcast %add3A_89 : i32 to vector<16xi32>
      %add3A_91 = arith.addi %mul3A_74, %add3A_90 : vector<16xi32>
      %gather3A_92 = tpu.vector_load_idx %arg14[%add3A_56, %add3A_91] : memref<256x128xf32, #tpu.memory_space<vmem>>[vector<16xi32>, vector<16xi32>], vector<16xf32>,
      %mul3A_93 = arith.mulf %gather3A_88, %gather3A_92 : vector<16xf32>
      %add3A_94 = arith.addf %add3A_84, %mul3A_93 : vector<16xf32>
      %add3A_95 = arith.constant 2 : i32
      %add3A_96 = vector.broadcast %add3A_95 : i32 to vector<16xi32>
      %add3A_97 = arith.addi %mul3A_68, %add3A_96 : vector<16xi32>
      %gather3A_98 = tpu.vector_load_idx %arg13[%add3A_56, %add3A_97] : memref<256x128xf32, #tpu.memory_space<vmem>>[vector<16xi32>, vector<16xi32>], vector<16xf32>,
      %add3A_99 = arith.constant 2 : i32
      %add3A_100 = vector.broadcast %add3A_99 : i32 to vector<16xi32>
      %add3A_101 = arith.addi %mul3A_74, %add3A_100 : vector<16xi32>
      %gather3A_102 = tpu.vector_load_idx %arg14[%add3A_56, %add3A_101] : memref<256x128xf32, #tpu.memory_space<vmem>>[vector<16xi32>, vector<16xi32>], vector<16xf32>,
      %mul3A_103 = arith.mulf %gather3A_98, %gather3A_102 : vector<16xf32>
      %add3A_104 = arith.addf %add3A_94, %mul3A_103 : vector<16xf32>
      %add3A_105 = arith.constant 3 : i32
      %add3A_106 = vector.broadcast %add3A_105 : i32 to vector<16xi32>
      %add3A_107 = arith.addi %mul3A_68, %add3A_106 : vector<16xi32>
      %gather3A_108 = tpu.vector_load_idx %arg13[%add3A_56, %add3A_107] : memref<256x128xf32, #tpu.memory_space<vmem>>[vector<16xi32>, vector<16xi32>], vector<16xf32>,
      %add3A_109 = arith.constant 3 : i32
      %add3A_110 = vector.broadcast %add3A_109 : i32 to vector<16xi32>
      %add3A_111 = arith.addi %mul3A_74, %add3A_110 : vector<16xi32>
      %gather3A_112 = tpu.vector_load_idx %arg14[%add3A_56, %add3A_111] : memref<256x128xf32, #tpu.memory_space<vmem>>[vector<16xi32>, vector<16xi32>], vector<16xf32>,
      %mul3A_113 = arith.mulf %gather3A_108, %gather3A_112 : vector<16xf32>
      %add3A_114 = arith.addf %add3A_104, %mul3A_113 : vector<16xf32>
      %add3A_115 = arith.constant 4 : i32
      %add3A_116 = vector.broadcast %add3A_115 : i32 to vector<16xi32>
      %add3A_117 = arith.addi %mul3A_68, %add3A_116 : vector<16xi32>
      %gather3A_118 = tpu.vector_load_idx %arg13[%add3A_56, %add3A_117] : memref<256x128xf32, #tpu.memory_space<vmem>>[vector<16xi32>, vector<16xi32>], vector<16xf32>,
      %add3A_119 = arith.constant 4 : i32
      %add3A_120 = vector.broadcast %add3A_119 : i32 to vector<16xi32>
      %add3A_121 = arith.addi %mul3A_74, %add3A_120 : vector<16xi32>
      %gather3A_122 = tpu.vector_load_idx %arg14[%add3A_56, %add3A_121] : memref<256x128xf32, #tpu.memory_space<vmem>>[vector<16xi32>, vector<16xi32>], vector<16xf32>,
      %mul3A_123 = arith.mulf %gather3A_118, %gather3A_122 : vector<16xf32>
      %add3A_124 = arith.addf %add3A_114, %mul3A_123 : vector<16xf32>
      %add3A_125 = arith.constant 5 : i32
      %add3A_126 = vector.broadcast %add3A_125 : i32 to vector<16xi32>
      %add3A_127 = arith.addi %mul3A_68, %add3A_126 : vector<16xi32>
      %gather3A_128 = tpu.vector_load_idx %arg13[%add3A_56, %add3A_127] : memref<256x128xf32, #tpu.memory_space<vmem>>[vector<16xi32>, vector<16xi32>], vector<16xf32>,
      %add3A_129 = arith.constant 5 : i32
      %add3A_130 = vector.broadcast %add3A_129 : i32 to vector<16xi32>
      %add3A_131 = arith.addi %mul3A_74, %add3A_130 : vector<16xi32>
      %gather3A_132 = tpu.vector_load_idx %arg14[%add3A_56, %add3A_131] : memref<256x128xf32, #tpu.memory_space<vmem>>[vector<16xi32>, vector<16xi32>], vector<16xf32>,
      %mul3A_133 = arith.mulf %gather3A_128, %gather3A_132 : vector<16xf32>
      %add3A_134 = arith.addf %add3A_124, %mul3A_133 : vector<16xf32>
      %add3A_135 = arith.constant 6 : i32
      %add3A_136 = vector.broadcast %add3A_135 : i32 to vector<16xi32>
      %add3A_137 = arith.addi %mul3A_68, %add3A_136 : vector<16xi32>
      %gather3A_138 = tpu.vector_load_idx %arg13[%add3A_56, %add3A_137] : memref<256x128xf32, #tpu.memory_space<vmem>>[vector<16xi32>, vector<16xi32>], vector<16xf32>,
      %add3A_139 = arith.constant 6 : i32
      %add3A_140 = vector.broadcast %add3A_139 : i32 to vector<16xi32>
      %add3A_141 = arith.addi %mul3A_74, %add3A_140 : vector<16xi32>
      %gather3A_142 = tpu.vector_load_idx %arg14[%add3A_56, %add3A_141] : memref<256x128xf32, #tpu.memory_space<vmem>>[vector<16xi32>, vector<16xi32>], vector<16xf32>,
      %mul3A_143 = arith.mulf %gather3A_138, %gather3A_142 : vector<16xf32>
      %add3A_144 = arith.addf %add3A_134, %mul3A_143 : vector<16xf32>
      %add3A_145 = arith.constant 7 : i32
      %add3A_146 = vector.broadcast %add3A_145 : i32 to vector<16xi32>
      %add3A_147 = arith.addi %mul3A_68, %add3A_146 : vector<16xi32>
      %gather3A_148 = tpu.vector_load_idx %arg13[%add3A_56, %add3A_147] : memref<256x128xf32, #tpu.memory_space<vmem>>[vector<16xi32>, vector<16xi32>], vector<16xf32>,
      %add3A_149 = arith.constant 7 : i32
      %add3A_150 = vector.broadcast %add3A_149 : i32 to vector<16xi32>
      %add3A_151 = arith.addi %mul3A_74, %add3A_150 : vector<16xi32>
      %gather3A_152 = tpu.vector_load_idx %arg14[%add3A_56, %add3A_151] : memref<256x128xf32, #tpu.memory_space<vmem>>[vector<16xi32>, vector<16xi32>], vector<16xf32>,
      %mul3A_153 = arith.mulf %gather3A_148, %gather3A_152 : vector<16xf32>
      %add3A_154 = arith.addf %add3A_144, %mul3A_153 : vector<16xf32>
      %add3A_155 = arith.constant 8 : i32
      %add3A_156 = vector.broadcast %add3A_155 : i32 to vector<16xi32>
      %add3A_157 = arith.addi %mul3A_68, %add3A_156 : vector<16xi32>
      %gather3A_158 = tpu.vector_load_idx %arg13[%add3A_56, %add3A_157] : memref<256x128xf32, #tpu.memory_space<vmem>>[vector<16xi32>, vector<16xi32>], vector<16xf32>,
      %add3A_159 = arith.constant 8 : i32
      %add3A_160 = vector.broadcast %add3A_159 : i32 to vector<16xi32>
      %add3A_161 = arith.addi %mul3A_74, %add3A_160 : vector<16xi32>
      %gather3A_162 = tpu.vector_load_idx %arg14[%add3A_56, %add3A_161] : memref<256x128xf32, #tpu.memory_space<vmem>>[vector<16xi32>, vector<16xi32>], vector<16xf32>,
      %mul3A_163 = arith.mulf %gather3A_158, %gather3A_162 : vector<16xf32>
      %add3A_164 = arith.addf %add3A_154, %mul3A_163 : vector<16xf32>
      %add3A_165 = arith.constant 9 : i32
      %add3A_166 = vector.broadcast %add3A_165 : i32 to vector<16xi32>
      %add3A_167 = arith.addi %mul3A_68, %add3A_166 : vector<16xi32>
      %gather3A_168 = tpu.vector_load_idx %arg13[%add3A_56, %add3A_167] : memref<256x128xf32, #tpu.memory_space<vmem>>[vector<16xi32>, vector<16xi32>], vector<16xf32>,
      %add3A_169 = arith.constant 9 : i32
      %add3A_170 = vector.broadcast %add3A_169 : i32 to vector<16xi32>
      %add3A_171 = arith.addi %mul3A_74, %add3A_170 : vector<16xi32>
      %gather3A_172 = tpu.vector_load_idx %arg14[%add3A_56, %add3A_171] : memref<256x128xf32, #tpu.memory_space<vmem>>[vector<16xi32>, vector<16xi32>], vector<16xf32>,
      %mul3A_173 = arith.mulf %gather3A_168, %gather3A_172 : vector<16xf32>
      %add3A_174 = arith.addf %add3A_164, %mul3A_173 : vector<16xf32>
      %add3A_175 = arith.constant 10 : i32
      %add3A_176 = vector.broadcast %add3A_175 : i32 to vector<16xi32>
      %add3A_177 = arith.addi %mul3A_68, %add3A_176 : vector<16xi32>
      %gather3A_178 = tpu.vector_load_idx %arg13[%add3A_56, %add3A_177] : memref<256x128xf32, #tpu.memory_space<vmem>>[vector<16xi32>, vector<16xi32>], vector<16xf32>,
      %add3A_179 = arith.constant 10 : i32
      %add3A_180 = vector.broadcast %add3A_179 : i32 to vector<16xi32>
      %add3A_181 = arith.addi %mul3A_74, %add3A_180 : vector<16xi32>
      %gather3A_182 = tpu.vector_load_idx %arg14[%add3A_56, %add3A_181] : memref<256x128xf32, #tpu.memory_space<vmem>>[vector<16xi32>, vector<16xi32>], vector<16xf32>,
      %mul3A_183 = arith.mulf %gather3A_178, %gather3A_182 : vector<16xf32>
      %add3A_184 = arith.addf %add3A_174, %mul3A_183 : vector<16xf32>
      %add3A_185 = arith.constant 11 : i32
      %add3A_186 = vector.broadcast %add3A_185 : i32 to vector<16xi32>
      %add3A_187 = arith.addi %mul3A_68, %add3A_186 : vector<16xi32>
      %gather3A_188 = tpu.vector_load_idx %arg13[%add3A_56, %add3A_187] : memref<256x128xf32, #tpu.memory_space<vmem>>[vector<16xi32>, vector<16xi32>], vector<16xf32>,
      %add3A_189 = arith.constant 11 : i32
      %add3A_190 = vector.broadcast %add3A_189 : i32 to vector<16xi32>
      %add3A_191 = arith.addi %mul3A_74, %add3A_190 : vector<16xi32>
      %gather3A_192 = tpu.vector_load_idx %arg14[%add3A_56, %add3A_191] : memref<256x128xf32, #tpu.memory_space<vmem>>[vector<16xi32>, vector<16xi32>], vector<16xf32>,
      %mul3A_193 = arith.mulf %gather3A_188, %gather3A_192 : vector<16xf32>
      %add3A_194 = arith.addf %add3A_184, %mul3A_193 : vector<16xf32>
      %add3A_195 = arith.constant 12 : i32
      %add3A_196 = vector.broadcast %add3A_195 : i32 to vector<16xi32>
      %add3A_197 = arith.addi %mul3A_68, %add3A_196 : vector<16xi32>
      %gather3A_198 = tpu.vector_load_idx %arg13[%add3A_56, %add3A_197] : memref<256x128xf32, #tpu.memory_space<vmem>>[vector<16xi32>, vector<16xi32>], vector<16xf32>,
      %add3A_199 = arith.constant 12 : i32
      %add3A_200 = vector.broadcast %add3A_199 : i32 to vector<16xi32>
      %add3A_201 = arith.addi %mul3A_74, %add3A_200 : vector<16xi32>
      %gather3A_202 = tpu.vector_load_idx %arg14[%add3A_56, %add3A_201] : memref<256x128xf32, #tpu.memory_space<vmem>>[vector<16xi32>, vector<16xi32>], vector<16xf32>,
      %mul3A_203 = arith.mulf %gather3A_198, %gather3A_202 : vector<16xf32>
      %add3A_204 = arith.addf %add3A_194, %mul3A_203 : vector<16xf32>
      %add3A_205 = arith.constant 13 : i32
      %add3A_206 = vector.broadcast %add3A_205 : i32 to vector<16xi32>
      %add3A_207 = arith.addi %mul3A_68, %add3A_206 : vector<16xi32>
      %gather3A_208 = tpu.vector_load_idx %arg13[%add3A_56, %add3A_207] : memref<256x128xf32, #tpu.memory_space<vmem>>[vector<16xi32>, vector<16xi32>], vector<16xf32>,
      %add3A_209 = arith.constant 13 : i32
      %add3A_210 = vector.broadcast %add3A_209 : i32 to vector<16xi32>
      %add3A_211 = arith.addi %mul3A_74, %add3A_210 : vector<16xi32>
      %gather3A_212 = tpu.vector_load_idx %arg14[%add3A_56, %add3A_211] : memref<256x128xf32, #tpu.memory_space<vmem>>[vector<16xi32>, vector<16xi32>], vector<16xf32>,
      %mul3A_213 = arith.mulf %gather3A_208, %gather3A_212 : vector<16xf32>
      %add3A_214 = arith.addf %add3A_204, %mul3A_213 : vector<16xf32>
      %add3A_215 = arith.constant 14 : i32
      %add3A_216 = vector.broadcast %add3A_215 : i32 to vector<16xi32>
      %add3A_217 = arith.addi %mul3A_68, %add3A_216 : vector<16xi32>
      %gather3A_218 = tpu.vector_load_idx %arg13[%add3A_56, %add3A_217] : memref<256x128xf32, #tpu.memory_space<vmem>>[vector<16xi32>, vector<16xi32>], vector<16xf32>,
      %add3A_219 = arith.constant 14 : i32
      %add3A_220 = vector.broadcast %add3A_219 : i32 to vector<16xi32>
      %add3A_221 = arith.addi %mul3A_74, %add3A_220 : vector<16xi32>
      %gather3A_222 = tpu.vector_load_idx %arg14[%add3A_56, %add3A_221] : memref<256x128xf32, #tpu.memory_space<vmem>>[vector<16xi32>, vector<16xi32>], vector<16xf32>,
      %mul3A_223 = arith.mulf %gather3A_218, %gather3A_222 : vector<16xf32>
      %add3A_224 = arith.addf %add3A_214, %mul3A_223 : vector<16xf32>
      %add3A_225 = arith.constant 15 : i32
      %add3A_226 = vector.broadcast %add3A_225 : i32 to vector<16xi32>
      %add3A_227 = arith.addi %mul3A_68, %add3A_226 : vector<16xi32>
      %gather3A_228 = tpu.vector_load_idx %arg13[%add3A_56, %add3A_227] : memref<256x128xf32, #tpu.memory_space<vmem>>[vector<16xi32>, vector<16xi32>], vector<16xf32>,
      %add3A_229 = arith.constant 15 : i32
      %add3A_230 = vector.broadcast %add3A_229 : i32 to vector<16xi32>
      %add3A_231 = arith.addi %mul3A_74, %add3A_230 : vector<16xi32>
      %gather3A_232 = tpu.vector_load_idx %arg14[%add3A_56, %add3A_231] : memref<256x128xf32, #tpu.memory_space<vmem>>[vector<16xi32>, vector<16xi32>], vector<16xf32>,
      %mul3A_233 = arith.mulf %gather3A_228, %gather3A_232 : vector<16xf32>
      %add3A_234 = arith.addf %add3A_224, %mul3A_233 : vector<16xf32>
      %add3A_235 = arith.constant 0 : i32
      %add3A_236 = arith.addi %add3A_235, %mul3A_54 : i32
      %swap3A = arith.index_cast %add3A_236 : i32 to index
      %swap3A_237 = tpu.vector_load %arg15[%swap3A] {strides = array<i32>} : memref<512xf32, #tpu.memory_space<vmem>>, vector<16xf32>,
      tpu.vector_store %arg15[%swap3A], %add3A_234 {strides = array<i32>} : memref<512xf32, #tpu.memory_space<vmem>>, vector<16xf32>,
    }
    %scan3A_25 = arith.constant 16 : i32
    %dma_start3A_26 = arith.constant 256 : i32
    %dma_start3A_27 = tpu.memref_slice %arg11[%dma_start3A_26] : memref<512xi32, #tpu.memory_space<vmem>> -> memref<256xi32, #tpu.memory_space<vmem>>
    %dma_start3A_28 = arith.constant 0 : i32
    %dma_start3A_29 = arith.constant 0 : i32
    %dma_start3A_30 = tpu.memref_slice %arg6[%dma_start3A_28, %dma_start3A_29] : memref<125000x128xf32, #tpu.memory_space<hbm>> -> memref<125000x128xf32, #tpu.memory_space<hbm>>
    tpu.enqueue_indirect_dma source(%dma_start3A_30 : memref<125000x128xf32, #tpu.memory_space<hbm>>) target(%arg13 : memref<256x128xf32, #tpu.memory_space<vmem>>) offsets(%dma_start3A_27 : memref<256xi32, #tpu.memory_space<vmem>>) semaphore(%arg16 : memref<!tpu.dma_semaphore, #tpu.memory_space<semaphore_mem>>)
    %dma_start3A_31 = arith.constant 256 : i32
    %dma_start3A_32 = tpu.memref_slice %arg12[%dma_start3A_31] : memref<512xi32, #tpu.memory_space<vmem>> -> memref<256xi32, #tpu.memory_space<vmem>>
    %dma_start3A_33 = arith.constant 0 : i32
    %dma_start3A_34 = arith.constant 0 : i32
    %dma_start3A_35 = tpu.memref_slice %arg7[%dma_start3A_33, %dma_start3A_34] : memref<125000x128xf32, #tpu.memory_space<hbm>> -> memref<125000x128xf32, #tpu.memory_space<hbm>>
    tpu.enqueue_indirect_dma source(%dma_start3A_35 : memref<125000x128xf32, #tpu.memory_space<hbm>>) target(%arg14 : memref<256x128xf32, #tpu.memory_space<vmem>>) offsets(%dma_start3A_32 : memref<256xi32, #tpu.memory_space<vmem>>) semaphore(%arg17 : memref<!tpu.dma_semaphore, #tpu.memory_space<semaphore_mem>>)
    %dma_wait3A_36 = arith.constant 256 : i32
    %dma_wait3A_37 = tpu.memref_slice %arg11[%dma_wait3A_36] : memref<512xi32, #tpu.memory_space<vmem>> -> memref<256xi32, #tpu.memory_space<vmem>>
    %dma_wait3A_38 = arith.constant 0 : i32
    %dma_wait3A_39 = arith.constant 0 : i32
    %dma_wait3A_40 = tpu.memref_slice %arg6[%dma_wait3A_38, %dma_wait3A_39] : memref<125000x128xf32, #tpu.memory_space<hbm>> -> memref<125000x128xf32, #tpu.memory_space<hbm>>
    tpu.wait_indirect_dma semaphore(%arg16 : memref<!tpu.dma_semaphore, #tpu.memory_space<semaphore_mem>>) src(%dma_wait3A_40 : memref<125000x128xf32, #tpu.memory_space<hbm>>) dst(%arg13 : memref<256x128xf32, #tpu.memory_space<vmem>>)
    %dma_wait3A_41 = arith.constant 256 : i32
    %dma_wait3A_42 = tpu.memref_slice %arg12[%dma_wait3A_41] : memref<512xi32, #tpu.memory_space<vmem>> -> memref<256xi32, #tpu.memory_space<vmem>>
    %dma_wait3A_43 = arith.constant 0 : i32
    %dma_wait3A_44 = arith.constant 0 : i32
    %dma_wait3A_45 = tpu.memref_slice %arg7[%dma_wait3A_43, %dma_wait3A_44] : memref<125000x128xf32, #tpu.memory_space<hbm>> -> memref<125000x128xf32, #tpu.memory_space<hbm>>
    tpu.wait_indirect_dma semaphore(%arg17 : memref<!tpu.dma_semaphore, #tpu.memory_space<semaphore_mem>>) src(%dma_wait3A_45 : memref<125000x128xf32, #tpu.memory_space<hbm>>) dst(%arg14 : memref<256x128xf32, #tpu.memory_space<vmem>>)
    %scan3A_46 = arith.constant 0 : i32
    %scan3A_47 = arith.constant 0 : i32
    %scan3A_48 = arith.constant 16 : i32
    %scan3A_49 = arith.addi %scan3A_47, %scan3A_48 : i32
    %scan3A_50 = arith.constant 1 : i32
    scf.for %scan3A_52 = %scan3A_47 to %scan3A_49 step %scan3A_50  : i32 {
      %mul3A_53 = arith.constant 16 : i32
      %mul3A_54 = arith.muli %scan3A_52, %mul3A_53 : i32
      %iota3A = tpu.iota {dimensions = array<i32: 0>} : vector<16xi32>
      %add3A_55 = vector.broadcast %mul3A_54 : i32 to vector<16xi32>
      %add3A_56 = arith.addi %add3A_55, %iota3A : vector<16xi32>
      %add3A_57 = arith.constant 256 : i32
      %add3A_58 = arith.addi %add3A_57, %mul3A_54 : i32
      %get3A = arith.index_cast %add3A_58 : i32 to index
      %get3A_59 = tpu.vector_load %arg9[%get3A] {strides = array<i32>} : memref<512xi32, #tpu.memory_space<vmem>>, vector<16xi32>,
      %add3A_60 = arith.constant 256 : i32
      %add3A_61 = arith.addi %add3A_60, %mul3A_54 : i32
      %get3A_62 = arith.index_cast %add3A_61 : i32 to index
      %get3A_63 = tpu.vector_load %arg10[%get3A_62] {strides = array<i32>} : memref<512xi32, #tpu.memory_space<vmem>>, vector<16xi32>,
      %and3A = arith.constant 7 : i32
      %and3A_64 = vector.broadcast %and3A : i32 to vector<16xi32>
      %and3A_65 = arith.andi %get3A_59, %and3A_64 : vector<16xi32>
      %mul3A_66 = arith.constant 16 : i32
      %mul3A_67 = vector.broadcast %mul3A_66 : i32 to vector<16xi32>
      %mul3A_68 = arith.muli %and3A_65, %mul3A_67 : vector<16xi32>
      %and3A_69 = arith.constant 7 : i32
      %and3A_70 = vector.broadcast %and3A_69 : i32 to vector<16xi32>
      %and3A_71 = arith.andi %get3A_63, %and3A_70 : vector<16xi32>
      %mul3A_72 = arith.constant 16 : i32
      %mul3A_73 = vector.broadcast %mul3A_72 : i32 to vector<16xi32>
      %mul3A_74 = arith.muli %and3A_71, %mul3A_73 : vector<16xi32>
      %broadcast_in_dim3A = arith.constant 0.000000e+00 : f32
      %broadcast_in_dim3A_75 = vector.broadcast %broadcast_in_dim3A : f32 to vector<16xf32>
      %add3A_76 = arith.constant 0 : i32
      %add3A_77 = vector.broadcast %add3A_76 : i32 to vector<16xi32>
      %add3A_78 = arith.addi %mul3A_68, %add3A_77 : vector<16xi32>
      %gather3A = tpu.vector_load_idx %arg13[%add3A_56, %add3A_78] : memref<256x128xf32, #tpu.memory_space<vmem>>[vector<16xi32>, vector<16xi32>], vector<16xf32>,
      %add3A_79 = arith.constant 0 : i32
      %add3A_80 = vector.broadcast %add3A_79 : i32 to vector<16xi32>
      %add3A_81 = arith.addi %mul3A_74, %add3A_80 : vector<16xi32>
      %gather3A_82 = tpu.vector_load_idx %arg14[%add3A_56, %add3A_81] : memref<256x128xf32, #tpu.memory_space<vmem>>[vector<16xi32>, vector<16xi32>], vector<16xf32>,
      %mul3A_83 = arith.mulf %gather3A, %gather3A_82 : vector<16xf32>
      %add3A_84 = arith.addf %broadcast_in_dim3A_75, %mul3A_83 : vector<16xf32>
      %add3A_85 = arith.constant 1 : i32
      %add3A_86 = vector.broadcast %add3A_85 : i32 to vector<16xi32>
      %add3A_87 = arith.addi %mul3A_68, %add3A_86 : vector<16xi32>
      %gather3A_88 = tpu.vector_load_idx %arg13[%add3A_56, %add3A_87] : memref<256x128xf32, #tpu.memory_space<vmem>>[vector<16xi32>, vector<16xi32>], vector<16xf32>,
      %add3A_89 = arith.constant 1 : i32
      %add3A_90 = vector.broadcast %add3A_89 : i32 to vector<16xi32>
      %add3A_91 = arith.addi %mul3A_74, %add3A_90 : vector<16xi32>
      %gather3A_92 = tpu.vector_load_idx %arg14[%add3A_56, %add3A_91] : memref<256x128xf32, #tpu.memory_space<vmem>>[vector<16xi32>, vector<16xi32>], vector<16xf32>,
      %mul3A_93 = arith.mulf %gather3A_88, %gather3A_92 : vector<16xf32>
      %add3A_94 = arith.addf %add3A_84, %mul3A_93 : vector<16xf32>
      %add3A_95 = arith.constant 2 : i32
      %add3A_96 = vector.broadcast %add3A_95 : i32 to vector<16xi32>
      %add3A_97 = arith.addi %mul3A_68, %add3A_96 : vector<16xi32>
      %gather3A_98 = tpu.vector_load_idx %arg13[%add3A_56, %add3A_97] : memref<256x128xf32, #tpu.memory_space<vmem>>[vector<16xi32>, vector<16xi32>], vector<16xf32>,
      %add3A_99 = arith.constant 2 : i32
      %add3A_100 = vector.broadcast %add3A_99 : i32 to vector<16xi32>
      %add3A_101 = arith.addi %mul3A_74, %add3A_100 : vector<16xi32>
      %gather3A_102 = tpu.vector_load_idx %arg14[%add3A_56, %add3A_101] : memref<256x128xf32, #tpu.memory_space<vmem>>[vector<16xi32>, vector<16xi32>], vector<16xf32>,
      %mul3A_103 = arith.mulf %gather3A_98, %gather3A_102 : vector<16xf32>
      %add3A_104 = arith.addf %add3A_94, %mul3A_103 : vector<16xf32>
      %add3A_105 = arith.constant 3 : i32
      %add3A_106 = vector.broadcast %add3A_105 : i32 to vector<16xi32>
      %add3A_107 = arith.addi %mul3A_68, %add3A_106 : vector<16xi32>
      %gather3A_108 = tpu.vector_load_idx %arg13[%add3A_56, %add3A_107] : memref<256x128xf32, #tpu.memory_space<vmem>>[vector<16xi32>, vector<16xi32>], vector<16xf32>,
      %add3A_109 = arith.constant 3 : i32
      %add3A_110 = vector.broadcast %add3A_109 : i32 to vector<16xi32>
      %add3A_111 = arith.addi %mul3A_74, %add3A_110 : vector<16xi32>
      %gather3A_112 = tpu.vector_load_idx %arg14[%add3A_56, %add3A_111] : memref<256x128xf32, #tpu.memory_space<vmem>>[vector<16xi32>, vector<16xi32>], vector<16xf32>,
      %mul3A_113 = arith.mulf %gather3A_108, %gather3A_112 : vector<16xf32>
      %add3A_114 = arith.addf %add3A_104, %mul3A_113 : vector<16xf32>
      %add3A_115 = arith.constant 4 : i32
      %add3A_116 = vector.broadcast %add3A_115 : i32 to vector<16xi32>
      %add3A_117 = arith.addi %mul3A_68, %add3A_116 : vector<16xi32>
      %gather3A_118 = tpu.vector_load_idx %arg13[%add3A_56, %add3A_117] : memref<256x128xf32, #tpu.memory_space<vmem>>[vector<16xi32>, vector<16xi32>], vector<16xf32>,
      %add3A_119 = arith.constant 4 : i32
      %add3A_120 = vector.broadcast %add3A_119 : i32 to vector<16xi32>
      %add3A_121 = arith.addi %mul3A_74, %add3A_120 : vector<16xi32>
      %gather3A_122 = tpu.vector_load_idx %arg14[%add3A_56, %add3A_121] : memref<256x128xf32, #tpu.memory_space<vmem>>[vector<16xi32>, vector<16xi32>], vector<16xf32>,
      %mul3A_123 = arith.mulf %gather3A_118, %gather3A_122 : vector<16xf32>
      %add3A_124 = arith.addf %add3A_114, %mul3A_123 : vector<16xf32>
      %add3A_125 = arith.constant 5 : i32
      %add3A_126 = vector.broadcast %add3A_125 : i32 to vector<16xi32>
      %add3A_127 = arith.addi %mul3A_68, %add3A_126 : vector<16xi32>
      %gather3A_128 = tpu.vector_load_idx %arg13[%add3A_56, %add3A_127] : memref<256x128xf32, #tpu.memory_space<vmem>>[vector<16xi32>, vector<16xi32>], vector<16xf32>,
      %add3A_129 = arith.constant 5 : i32
      %add3A_130 = vector.broadcast %add3A_129 : i32 to vector<16xi32>
      %add3A_131 = arith.addi %mul3A_74, %add3A_130 : vector<16xi32>
      %gather3A_132 = tpu.vector_load_idx %arg14[%add3A_56, %add3A_131] : memref<256x128xf32, #tpu.memory_space<vmem>>[vector<16xi32>, vector<16xi32>], vector<16xf32>,
      %mul3A_133 = arith.mulf %gather3A_128, %gather3A_132 : vector<16xf32>
      %add3A_134 = arith.addf %add3A_124, %mul3A_133 : vector<16xf32>
      %add3A_135 = arith.constant 6 : i32
      %add3A_136 = vector.broadcast %add3A_135 : i32 to vector<16xi32>
      %add3A_137 = arith.addi %mul3A_68, %add3A_136 : vector<16xi32>
      %gather3A_138 = tpu.vector_load_idx %arg13[%add3A_56, %add3A_137] : memref<256x128xf32, #tpu.memory_space<vmem>>[vector<16xi32>, vector<16xi32>], vector<16xf32>,
      %add3A_139 = arith.constant 6 : i32
      %add3A_140 = vector.broadcast %add3A_139 : i32 to vector<16xi32>
      %add3A_141 = arith.addi %mul3A_74, %add3A_140 : vector<16xi32>
      %gather3A_142 = tpu.vector_load_idx %arg14[%add3A_56, %add3A_141] : memref<256x128xf32, #tpu.memory_space<vmem>>[vector<16xi32>, vector<16xi32>], vector<16xf32>,
      %mul3A_143 = arith.mulf %gather3A_138, %gather3A_142 : vector<16xf32>
      %add3A_144 = arith.addf %add3A_134, %mul3A_143 : vector<16xf32>
      %add3A_145 = arith.constant 7 : i32
      %add3A_146 = vector.broadcast %add3A_145 : i32 to vector<16xi32>
      %add3A_147 = arith.addi %mul3A_68, %add3A_146 : vector<16xi32>
      %gather3A_148 = tpu.vector_load_idx %arg13[%add3A_56, %add3A_147] : memref<256x128xf32, #tpu.memory_space<vmem>>[vector<16xi32>, vector<16xi32>], vector<16xf32>,
      %add3A_149 = arith.constant 7 : i32
      %add3A_150 = vector.broadcast %add3A_149 : i32 to vector<16xi32>
      %add3A_151 = arith.addi %mul3A_74, %add3A_150 : vector<16xi32>
      %gather3A_152 = tpu.vector_load_idx %arg14[%add3A_56, %add3A_151] : memref<256x128xf32, #tpu.memory_space<vmem>>[vector<16xi32>, vector<16xi32>], vector<16xf32>,
      %mul3A_153 = arith.mulf %gather3A_148, %gather3A_152 : vector<16xf32>
      %add3A_154 = arith.addf %add3A_144, %mul3A_153 : vector<16xf32>
      %add3A_155 = arith.constant 8 : i32
      %add3A_156 = vector.broadcast %add3A_155 : i32 to vector<16xi32>
      %add3A_157 = arith.addi %mul3A_68, %add3A_156 : vector<16xi32>
      %gather3A_158 = tpu.vector_load_idx %arg13[%add3A_56, %add3A_157] : memref<256x128xf32, #tpu.memory_space<vmem>>[vector<16xi32>, vector<16xi32>], vector<16xf32>,
      %add3A_159 = arith.constant 8 : i32
      %add3A_160 = vector.broadcast %add3A_159 : i32 to vector<16xi32>
      %add3A_161 = arith.addi %mul3A_74, %add3A_160 : vector<16xi32>
      %gather3A_162 = tpu.vector_load_idx %arg14[%add3A_56, %add3A_161] : memref<256x128xf32, #tpu.memory_space<vmem>>[vector<16xi32>, vector<16xi32>], vector<16xf32>,
      %mul3A_163 = arith.mulf %gather3A_158, %gather3A_162 : vector<16xf32>
      %add3A_164 = arith.addf %add3A_154, %mul3A_163 : vector<16xf32>
      %add3A_165 = arith.constant 9 : i32
      %add3A_166 = vector.broadcast %add3A_165 : i32 to vector<16xi32>
      %add3A_167 = arith.addi %mul3A_68, %add3A_166 : vector<16xi32>
      %gather3A_168 = tpu.vector_load_idx %arg13[%add3A_56, %add3A_167] : memref<256x128xf32, #tpu.memory_space<vmem>>[vector<16xi32>, vector<16xi32>], vector<16xf32>,
      %add3A_169 = arith.constant 9 : i32
      %add3A_170 = vector.broadcast %add3A_169 : i32 to vector<16xi32>
      %add3A_171 = arith.addi %mul3A_74, %add3A_170 : vector<16xi32>
      %gather3A_172 = tpu.vector_load_idx %arg14[%add3A_56, %add3A_171] : memref<256x128xf32, #tpu.memory_space<vmem>>[vector<16xi32>, vector<16xi32>], vector<16xf32>,
      %mul3A_173 = arith.mulf %gather3A_168, %gather3A_172 : vector<16xf32>
      %add3A_174 = arith.addf %add3A_164, %mul3A_173 : vector<16xf32>
      %add3A_175 = arith.constant 10 : i32
      %add3A_176 = vector.broadcast %add3A_175 : i32 to vector<16xi32>
      %add3A_177 = arith.addi %mul3A_68, %add3A_176 : vector<16xi32>
      %gather3A_178 = tpu.vector_load_idx %arg13[%add3A_56, %add3A_177] : memref<256x128xf32, #tpu.memory_space<vmem>>[vector<16xi32>, vector<16xi32>], vector<16xf32>,
      %add3A_179 = arith.constant 10 : i32
      %add3A_180 = vector.broadcast %add3A_179 : i32 to vector<16xi32>
      %add3A_181 = arith.addi %mul3A_74, %add3A_180 : vector<16xi32>
      %gather3A_182 = tpu.vector_load_idx %arg14[%add3A_56, %add3A_181] : memref<256x128xf32, #tpu.memory_space<vmem>>[vector<16xi32>, vector<16xi32>], vector<16xf32>,
      %mul3A_183 = arith.mulf %gather3A_178, %gather3A_182 : vector<16xf32>
      %add3A_184 = arith.addf %add3A_174, %mul3A_183 : vector<16xf32>
      %add3A_185 = arith.constant 11 : i32
      %add3A_186 = vector.broadcast %add3A_185 : i32 to vector<16xi32>
      %add3A_187 = arith.addi %mul3A_68, %add3A_186 : vector<16xi32>
      %gather3A_188 = tpu.vector_load_idx %arg13[%add3A_56, %add3A_187] : memref<256x128xf32, #tpu.memory_space<vmem>>[vector<16xi32>, vector<16xi32>], vector<16xf32>,
      %add3A_189 = arith.constant 11 : i32
      %add3A_190 = vector.broadcast %add3A_189 : i32 to vector<16xi32>
      %add3A_191 = arith.addi %mul3A_74, %add3A_190 : vector<16xi32>
      %gather3A_192 = tpu.vector_load_idx %arg14[%add3A_56, %add3A_191] : memref<256x128xf32, #tpu.memory_space<vmem>>[vector<16xi32>, vector<16xi32>], vector<16xf32>,
      %mul3A_193 = arith.mulf %gather3A_188, %gather3A_192 : vector<16xf32>
      %add3A_194 = arith.addf %add3A_184, %mul3A_193 : vector<16xf32>
      %add3A_195 = arith.constant 12 : i32
      %add3A_196 = vector.broadcast %add3A_195 : i32 to vector<16xi32>
      %add3A_197 = arith.addi %mul3A_68, %add3A_196 : vector<16xi32>
      %gather3A_198 = tpu.vector_load_idx %arg13[%add3A_56, %add3A_197] : memref<256x128xf32, #tpu.memory_space<vmem>>[vector<16xi32>, vector<16xi32>], vector<16xf32>,
      %add3A_199 = arith.constant 12 : i32
      %add3A_200 = vector.broadcast %add3A_199 : i32 to vector<16xi32>
      %add3A_201 = arith.addi %mul3A_74, %add3A_200 : vector<16xi32>
      %gather3A_202 = tpu.vector_load_idx %arg14[%add3A_56, %add3A_201] : memref<256x128xf32, #tpu.memory_space<vmem>>[vector<16xi32>, vector<16xi32>], vector<16xf32>,
      %mul3A_203 = arith.mulf %gather3A_198, %gather3A_202 : vector<16xf32>
      %add3A_204 = arith.addf %add3A_194, %mul3A_203 : vector<16xf32>
      %add3A_205 = arith.constant 13 : i32
      %add3A_206 = vector.broadcast %add3A_205 : i32 to vector<16xi32>
      %add3A_207 = arith.addi %mul3A_68, %add3A_206 : vector<16xi32>
      %gather3A_208 = tpu.vector_load_idx %arg13[%add3A_56, %add3A_207] : memref<256x128xf32, #tpu.memory_space<vmem>>[vector<16xi32>, vector<16xi32>], vector<16xf32>,
      %add3A_209 = arith.constant 13 : i32
      %add3A_210 = vector.broadcast %add3A_209 : i32 to vector<16xi32>
      %add3A_211 = arith.addi %mul3A_74, %add3A_210 : vector<16xi32>
      %gather3A_212 = tpu.vector_load_idx %arg14[%add3A_56, %add3A_211] : memref<256x128xf32, #tpu.memory_space<vmem>>[vector<16xi32>, vector<16xi32>], vector<16xf32>,
      %mul3A_213 = arith.mulf %gather3A_208, %gather3A_212 : vector<16xf32>
      %add3A_214 = arith.addf %add3A_204, %mul3A_213 : vector<16xf32>
      %add3A_215 = arith.constant 14 : i32
      %add3A_216 = vector.broadcast %add3A_215 : i32 to vector<16xi32>
      %add3A_217 = arith.addi %mul3A_68, %add3A_216 : vector<16xi32>
      %gather3A_218 = tpu.vector_load_idx %arg13[%add3A_56, %add3A_217] : memref<256x128xf32, #tpu.memory_space<vmem>>[vector<16xi32>, vector<16xi32>], vector<16xf32>,
      %add3A_219 = arith.constant 14 : i32
      %add3A_220 = vector.broadcast %add3A_219 : i32 to vector<16xi32>
      %add3A_221 = arith.addi %mul3A_74, %add3A_220 : vector<16xi32>
      %gather3A_222 = tpu.vector_load_idx %arg14[%add3A_56, %add3A_221] : memref<256x128xf32, #tpu.memory_space<vmem>>[vector<16xi32>, vector<16xi32>], vector<16xf32>,
      %mul3A_223 = arith.mulf %gather3A_218, %gather3A_222 : vector<16xf32>
      %add3A_224 = arith.addf %add3A_214, %mul3A_223 : vector<16xf32>
      %add3A_225 = arith.constant 15 : i32
      %add3A_226 = vector.broadcast %add3A_225 : i32 to vector<16xi32>
      %add3A_227 = arith.addi %mul3A_68, %add3A_226 : vector<16xi32>
      %gather3A_228 = tpu.vector_load_idx %arg13[%add3A_56, %add3A_227] : memref<256x128xf32, #tpu.memory_space<vmem>>[vector<16xi32>, vector<16xi32>], vector<16xf32>,
      %add3A_229 = arith.constant 15 : i32
      %add3A_230 = vector.broadcast %add3A_229 : i32 to vector<16xi32>
      %add3A_231 = arith.addi %mul3A_74, %add3A_230 : vector<16xi32>
      %gather3A_232 = tpu.vector_load_idx %arg14[%add3A_56, %add3A_231] : memref<256x128xf32, #tpu.memory_space<vmem>>[vector<16xi32>, vector<16xi32>], vector<16xf32>,
      %mul3A_233 = arith.mulf %gather3A_228, %gather3A_232 : vector<16xf32>
      %add3A_234 = arith.addf %add3A_224, %mul3A_233 : vector<16xf32>
      %add3A_235 = arith.constant 256 : i32
      %add3A_236 = arith.addi %add3A_235, %mul3A_54 : i32
      %swap3A = arith.index_cast %add3A_236 : i32 to index
      %swap3A_237 = tpu.vector_load %arg15[%swap3A] {strides = array<i32>} : memref<512xf32, #tpu.memory_space<vmem>>, vector<16xf32>,
      tpu.vector_store %arg15[%swap3A], %add3A_234 {strides = array<i32>} : memref<512xf32, #tpu.memory_space<vmem>>, vector<16xf32>,
    }
    %scan3A_51 = arith.constant 16 : i32
    "tpu.region"() ({
      %run_scoped3A = tpu.sem_alloc : memref<!tpu.dma_semaphore, #tpu.memory_space<semaphore_mem>>
      %dma_start3A_52 = tpu.memref_slice %arg8[%mul3A_2] : memref<16384xf32, #tpu.memory_space<hbm>> -> memref<512xf32, #tpu.memory_space<hbm>>
      %dma_start3A_53 = tpu.memref_slice %arg8[%mul3A_2] : memref<16384xf32, #tpu.memory_space<hbm>> -> memref<512xf32, #tpu.memory_space<hbm>>
      tpu.enqueue_dma source(%arg15 : memref<512xf32, #tpu.memory_space<vmem>>) target(%dma_start3A_53 : memref<512xf32, #tpu.memory_space<hbm>>) target_semaphore(%run_scoped3A : memref<!tpu.dma_semaphore, #tpu.memory_space<semaphore_mem>>)
      %dma_wait3A_54 = tpu.memref_slice %arg8[%mul3A_2] : memref<16384xf32, #tpu.memory_space<hbm>> -> memref<512xf32, #tpu.memory_space<hbm>>
      %dma_wait3A_55 = tpu.memref_slice %arg8[%mul3A_2] : memref<16384xf32, #tpu.memory_space<hbm>> -> memref<512xf32, #tpu.memory_space<hbm>>
      tpu.wait_dma2 semaphore(%run_scoped3A : memref<!tpu.dma_semaphore, #tpu.memory_space<semaphore_mem>>) src(%arg15 : memref<512xf32, #tpu.memory_space<vmem>>) dst(%dma_wait3A_55 : memref<512xf32, #tpu.memory_space<hbm>>)
      tpu.yield
    }) : () -> ()
    return
  }
}

</mosaic_0001>

<sc_bundles>
// kernel: kernel.3.cloned.1.call-start
scs
__scs_entry_jumppad:
0x0: {  	(pc) =	sbr.rel $0x88, $3  }
0x1: {  	(tag) =	ssettag $0x0;
	lr =	simm.s32 $0x1  }
0x2: {  	[smem:$0x3F9E] =	sst lr;
	_ =	strace $0xD0000000  }
0x3: {  	_ = 	snop  }
0x4: {  	_ = 	snop  }
0x5: {  	_ = 	snop  }
0x6: {  	_ = 	snop  }
0x7: {  	_ = 	snop  }
__scs_overlays_trampoline_lowered:
0x8: {  	[smem:$0x3FAD] =	sst s0  }
0x9: {  	[smem:$0x3FAE] =	sst s1  }
0xa: {  	[smem:$0x3FAF] =	sst s2  }
0xb: {  	[smem:$0x3FB0] =	sst s3  }
0xc: {  	[smem:$0x3FB1] =	sst s4  }
0xd: {  	[smem:$0x3FB2] =	sst s5  }
0xe: {  	[smem:$0x3FB3] =	sst s6  }
0xf: {  	[smem:$0x3FB4] =	sst s7  }
0x10: {  	[smem:$0x3FB5] =	sst s8  }
0x11: {  	[smem:$0x3FB6] =	sst s9;
	s0 =	simm.s32 @!p0 $0x0  }
0x12: {  	s1 =	sld [smem:$0x3F9C];
	s0 =	simm.s32 @p0 $0x1  }
0x13: {  	[smem:$0x3FB7] =	sst s0;
	s0 =	simm.s32 @!p1 $0x0  }
0x14: {  	s2 =	sld [smem:$0x3F9B];
	s0 =	simm.s32 @p1 $0x1  }
0x15: {  	[smem:$0x3FB8] =	sst s0;
	s0 =	simm.s32 @!p2 $0x0  }
0x16: {  	s3 =	sld [smem:$0x3FDB];
	s0 =	simm.s32 @p2 $0x1  }
0x17: {  	s4 =	simm.s32 $0x1BF5;
	[smem:$0x3FBA] =	sst s0  }
0x18: {  	s0 =	sld [smem:$0x3F9D];
	_ =	swait.ge [sflag:s4], $0x0  }
0x19: {  	s7 =	sld [smem:$0x3F9E]  }
0x1a: {  	s8 =	sadd.s32 $0xFFFFE003, lr  }
0x1b: {  	s9 =	sadd.s32 $0xFFFFFEF7, lr;
	s5 =	simm.s32 $0xFFFFFFFF;
	p2 =	slt.u32 s8, $0xFFFFF086  }
0x1c: {  	p1 =	slt.u32 s9, $0xF7A;
	s5 =	simm.s32 @!p2 $0x0  }
0x1d: {  	s5 =	simm.s32 @p1 $0x1;
	p0 =	seq.s32 s7, s2  }
0x1e: {  	s7 =	smul.u32 @!p0 $0xF7A, s2;
	p2 =	seq.s32 @!p0 s5, $0x0  }
0x1f: {  	s9 =	smul.u32 $0xF7A, s1;
	s8 =	simm.s32 @!p0 $0x1BF5;
	p2 =	por !p2, p0  }
0x20: {  	[sflag:s8] =	ssyncset.s32 @!p0 $0xFFFFF086;
	s6 =	sadd.s32 @!p0 s3, s7;
	s7 =	simm.s32 @!p0 $0x108  }
0x21: {  	s3 =	sadd.s32 s3, s9;
	s6 =	sadd.s32 @!p0 $0x88, s6;
	s7 =	simm.s32 @p2 $0x1082  }
0x22: {  	[simem:s7], [sflag:s8] =	dma.local @!p0 [hbm:s6], $0xF7A  }
0x23: {  	s9 =	sor.u32 $0xD0000000, s2;
	s6 =	simm.s32 $0x108;
	_ =	swait.ge @!p0 [sflag:s8], $0x0  }
0x24: {  	s3 =	sadd.s32 $0x88, s3;
	s6 =	simm.s32 @!p1 $0x1082;
	[sflag:s4] =	ssyncset.s32 $0xFFFFF086  }
0x25: {  	[simem:s6], [sflag:s4] =	dma.local [hbm:s3], $0xF7A  }
0x26: {  	[smem:$0x3F9E] =	sst s1;
	(tag) =	ssettag s2;
	_ =	strace s9  }
0x27: {  	s1 =	sld [smem:$0x3FAE]  }
0x28: {  	s2 =	sld [smem:$0x3FAF]  }
0x29: {  	s4 =	sld [smem:$0x3FB1]  }
0x2a: {  	p0 =	seq.s32 s5, $0x0;
	s5 =	sld [smem:$0x3FB2]  }
0x2b: {  	s6 =	sld [smem:$0x3FB3]  }
0x2c: {  	s7 =	sld [smem:$0x3FB4]  }
0x2d: {  	s3 =	simm.s32 $0x108;
	s8 =	sld [smem:$0x3FB5]  }
0x2e: {  	s3 =	simm.s32 @!p0 $0x1082;
	s9 =	sld [smem:$0x3FB6]  }
0x2f: {  	lr =	sadd.s32 s0, s3;
	s0 =	sld [smem:$0x3FAD]  }
0x30: {  	s3 =	sld [smem:$0x3FB0]  }
0x31: {  	[smem:$0x3FB9] =	sst s10  }
0x32: {  	s10 =	sld [smem:$0x3FB7];
	_ =	sdelay $0x3  }
0x33: {  	p0 =	seq.s32 s10, $0x1;
	s10 =	sld [smem:$0x3FB9];
	_ =	sdelay $0x3  }
0x34: {  	[smem:$0x3FB9] =	sst s10  }
0x35: {  	s10 =	sld [smem:$0x3FB8];
	_ =	sdelay $0x3  }
0x36: {  	p1 =	seq.s32 s10, $0x1;
	s10 =	sld [smem:$0x3FB9];
	_ =	sdelay $0x3  }
0x37: {  	[smem:$0x3FB9] =	sst s10  }
0x38: {  	s10 =	sld [smem:$0x3FBA]  }
0x39: {  	_ = 	snop;
	(pc) =	sbr.ind lr, $3  }
0x3a: {  	_ = 	snop  }
0x3b: {  	_ = 	snop  }
0x3c: {  	p2 =	seq.s32 s10, $0x1;
	s10 =	sld [smem:$0x3FB9]  }
0x3d: {  	_ =	shalt  }
0x3e: {  	_ =	shalt  }
0x3f: {  	_ =	shalt  }
0x40: {  	_ =	shalt  }
0x41: {  	_ =	shalt  }
0x42: {  	_ =	shalt  }
0x43: {  	_ =	shalt  }
0x44: {  	_ =	shalt  }
0x45: {  	_ =	shalt  }
0x46: {  	_ =	shalt  }
0x47: {  	_ =	shalt  }
0x48: {  	_ =	shalt  }
0x49: {  	_ =	shalt  }
0x4a: {  	_ =	shalt  }
0x4b: {  	_ =	shalt  }
0x4c: {  	_ =	shalt  }
0x4d: {  	_ =	shalt  }
0x4e: {  	_ =	shalt  }
0x4f: {  	_ =	shalt  }
0x50: {  	_ =	shalt  }
0x51: {  	_ =	shalt  }
0x52: {  	_ =	shalt  }
0x53: {  	_ =	shalt  }
0x54: {  	_ =	shalt  }
0x55: {  	_ =	shalt  }
0x56: {  	_ =	shalt  }
0x57: {  	_ =	shalt  }
0x58: {  	_ =	shalt  }
0x59: {  	_ =	shalt  }
0x5a: {  	_ =	shalt  }
0x5b: {  	_ =	shalt  }
0x5c: {  	_ =	shalt  }
0x5d: {  	_ =	shalt  }
0x5e: {  	_ =	shalt  }
0x5f: {  	_ =	shalt  }
0x60: {  	_ =	shalt  }
0x61: {  	_ =	shalt  }
0x62: {  	_ =	shalt  }
0x63: {  	_ =	shalt  }
0x64: {  	_ =	shalt  }
0x65: {  	_ =	shalt  }
0x66: {  	_ =	shalt  }
0x67: {  	_ =	shalt  }
0x68: {  	_ =	shalt  }
0x69: {  	_ =	shalt  }
0x6a: {  	_ =	shalt  }
0x6b: {  	_ =	shalt  }
0x6c: {  	_ =	shalt  }
0x6d: {  	_ =	shalt  }
0x6e: {  	_ =	shalt  }
0x6f: {  	_ =	shalt  }
0x70: {  	_ =	shalt  }
0x71: {  	_ =	shalt  }
0x72: {  	_ =	shalt  }
0x73: {  	_ =	shalt  }
0x74: {  	_ =	shalt  }
0x75: {  	_ =	shalt  }
0x76: {  	_ =	shalt  }
0x77: {  	_ =	shalt  }
0x78: {  	_ =	shalt  }
0x79: {  	_ =	shalt  }
0x7a: {  	_ =	shalt  }
0x7b: {  	_ =	shalt  }
0x7c: {  	_ =	shalt  }
0x7d: {  	_ =	shalt  }
0x7e: {  	_ =	shalt  }
0x7f: {  	_ =	shalt  }
0x80: {  	_ =	shalt  }
0x81: {  	_ =	shalt  }
0x82: {  	_ =	shalt  }
0x83: {  	_ =	shalt  }
0x84: {  	_ =	shalt  }
0x85: {  	_ =	shalt  }
0x86: {  	_ =	shalt  }
0x87: {  	_ =	shalt  }
.Lfunc_end0:
.L_simem_size_0:
called_computation_lowered:
.L_overlay_start_0:
0x88: {  	s2 =	sld [smem:$0x3FD9]  }
0x89: {  	s3 =	sld [smem:$0x3FFE];
	_ =	sdelay $0x1  }
0x8a: {  	s1 =	srdreg.scid  }
0x8b: {  	s0 =	sand.u32 $0x1, s1  }
0x8c: {  	s17 =	sshll.u32 s0, $0xA;
	s2 =	sadd.s32 s3, s2  }
0x8d: {  	s2 =	sadd.s32 s2, s17  }
0x8e: {  	[smem:$0x3FC5] =	sst s2  }
0x8f: {  	_ = 	snop  }
0x90: {  	s2 =	sld [smem:$0x3FD0];
	(tm) =	ssettm $0x1  }
0x91: {  	s18 =	sld [smem:$0x3FFB];
	_ =	sdelay $0x3  }
0x92: {  	_ =	strace s18  }
0x93: {  	s3 =	sld [smem:$0x3FFC];
	_ =	sdelay $0x3  }
0x94: {  	_ =	strace s3  }
0x95: {  	s3 =	sld [smem:$0x3FFD];
	_ =	sdelay $0x3  }
0x96: {  	_ =	strace s3  }
0x97: {  	_ =	strace $0x8FFFFFFF  }
0x98: {  	s19 =	sld [smem:$0x3FDB];
	_ =	sdelay $0x1  }
0x99: {  	s4 =	simm.s32 $_scs_section_size  }
0x9a: {  	s5 =	simm.s32 $_size__tile_overlayer_lowered;
	s6 =	simm.s32 $_tile_overlayer_lowered  }
0x9b: {  	s22 =	simm.s32 $0x1BFF;
	s21 =	sshll.u32 s6, $0x1;
	s3 =	sadd.s32 s4, s19  }
0x9c: {  	s7 =	simm.s32 $0x0;
	s20 =	sshll.u32 s5, $0x1;
	s5 =	sadd.s32 s21, s3  }
0x9d: {  	[timem:s7], [sflag:s22] =	dma.local [hbm:s5], s20  }
0x9e: {  	_ =	swait.ge [sflag:s22], s20  }
0x9f: {  	s4 =	ssub.s32 $0x0, s20;
	[sflag:s22] =	ssyncset.done $0x0  }
0xa0: {  	[sflag:s22] =	ssyncadd.s32 s4;
	_ =	sdelay $0x1  }
0xa1: {  	s23 =	simm.s32 $0x1B8B  }
0xa2: {  	_ =	swait.ge [sflag:s23], $0x1  }
0xa3: {  	[sflag:s23] =	ssyncset.done $0x0  }
0xa4: {  	s25 =	simm.s32 $0x1B8E;
	s24 =	sld [smem:$0x3FFE];
	[sflag:s23] =	ssyncadd.s32 $0xFFFFFFFF  }
0xa5: {  	s26 =	simm.s32 $execute0_lowered;
	[smem:$0x3FD2] =	sst s25  }
0xa6: {  	s5 =	sshll.u32 s26, $0x1;
	_ =	strace $0x80000046;
	[dreg:$0x1] =	wrdreg $0xFFFFFFFF  }
0xa7: {  	s28 =	simm.s32 $_size_execute0_lowered;
	s3 =	sadd.s32 s3, s5;
	[dreg:$0x0] =	wrdreg $0x0  }
0xa8: {  	s5 =	sshll.u32 s28, $0x1;
	[dreg:$0x2] =	wrdreg s3  }
0xa9: {  	[dreg:$0x3] =	wrdreg s5  }
0xaa: {  	[dreg:$0x4] =	wrdreg $0xC0  }
0xab: {  	_ =	task [dreg:s7], $0x5FFFF  }
0xac: {  	[dreg:$0x1] =	wrdreg $0xFFFFFFFF  }
0xad: {  	[dreg:$0x0] =	wrdreg $0x60  }
0xae: {  	[dreg:$0x2] =	wrdreg s24  }
0xaf: {  	[dreg:$0x3] =	wrdreg s2  }
0xb0: {  	[dreg:$0x4] =	wrdreg $0x9  }
0xb1: {  	_ =	task.clear_ibuf [dreg:s7], $0x5FFFF;
	_ =	strace $0x90000046  }
0xb2: {  	s29 =	simm.s32 $0x9;
	_ =	strace $0x80000048  }
0xb3: {  	_ =	swait.ge [sflag:s29], $0x1  }
0xb4: {  	[sflag:s29] =	ssyncadd.s32 $0xFFFFFFFF  }
0xb5: {  	_ =	strace $0x90000048  }
0xb6: {  	_ =	sfence  }
0xb7: {  	s30 =	sld [smem:$0x0];
	_ =	sdelay $0x2  }
0xb8: {  	s31 =	sshll.u32 s1, $0xD;
	s1 =	sshrl.u32 s1, $0x2  }
0xb9: {  	s3 =	sand.u32 $0x4000, s31;
	s1 =	sadd.s32 s1, s30  }
0xba: {  	s0 =	sor.u32 s3, s0;
	s1 =	sshll.u32 s1, $0x11  }
0xbb: {  	s0 =	sor.u32 s1, s0  }
0xbc: {  	s0 =	sadd.s32 $0x8F2B, s0  }
0xbd: {  	[sflag:s0] =	ssyncadd.remote.s32 $0x1  }
0xbe: {  	_ =	sfence.sel $0xFFFF  }
0xbf: {  	[dreg:$0x0] =	wrdreg $0xFFFFFFFF;
	(pc) =	sbr.abs _section_cstart, $3  }
0xc0: {  	[dreg:$0x1] =	wrdreg $0xFFFFFFFF  }
0xc1: {  	_ =	task.clear_ibuf [dreg:s7], $0x2FFFF;
	_ =	strace $0x9FFFFFFF  }
0xc2: {  	(tm) =	ssettm $0x7FFFFFFF  }
0xc3: {  	_ =	shalt  }
tec
execute0_lowered:
.L_overlay_start_1:
0x0: {  	(tag) =	ssettag $0x1  }
0x1: {  	s4 =	rddreg [dreg:$0x0]  }
0x2: {  	s9 =	rddreg [dreg:$0x1];
	s2 =	srdreg.scid  }
0x3: {  	s0 =	rddreg [dreg:$0x2];
	s1 =	stileid.u32;
	s12 =	simm.s32 $0x400  }
0x4: {  	s13 =	simm.s32 $0x600;
	s14 =	simm.s32 $0x100;
	s15 =	simm.s32 $0x800  }
0x5: {  	s16 =	simm.s32 $0x8800;
	s17 =	simm.s32 $0x1;
	s18 =	simm.s32 $0x2  }
0x6: {  	s19 =	simm.s32 $0x500;
	s20 =	simm.s32 $0x700;
	s21 =	simm.s32 $0x10800  }
0x7: {  	s22 =	simm.s32 $0x0;
	s3 =	sand.u32 $0x1, s2;
	s2 =	simm.s32 $0x0  }
0x8: {  	s5 =	sshll.u32 s1, $0x7;
	s6 =	sshll.u32 s3, $0x6;
	[smem:$0x7FF] =	sst s2  }
0x9: {  	s30 =	ssub.s32 $0x2, s3;
	s3 =	sadd.s32 $0xF44000, s4;
	s10 =	sor.u32 s6, s5  }
0xa: {  	_ =	strace $0x80000047;
	s31 =	sshrl.u32 s30, $0x1;
	s8 =	sadd.s32 s10, s4  }
0xb: {  	s4 =	sadd.s32 $0x112C600, s4;
	s11 =	ssub.s32 s30, s31;
	s9 =	sadd.s32 s9, s10  }
0xc: {  	v0 =	vlaneseq.u32;
	s5 =	sadd.s32 $0x1400, s8;
	s6 =	sadd.s32 $0xC00, s8;
	s7 =	sadd.s32 $0x2400, s8  }
0xd: {  	v0 =	vmul.u32 $0x80, v0;
	s8 =	sadd.s32 $0x1C00, s8;
	s10 =	smax.u32 s11, $0x1;
	s11 =	simm.s32 $0x3  }
.LBB2_1:
0xe: {  	[tilespmem:s2], [sflag:$0x3] =	stream.linear.gather [hbm4b:s5+s2], $0x200, $0x38;
	[tilespmem:$0x10A00] =	vst v63  }
0xf: {  	_ =	swait.ge [sflag:s11], $0x200  }
0x10: {  	[sflag:s11] =	ssyncset.done $0x0  }
0x11: {  	s23 =	simm.s32 $0x200;
	[sflag:s11] =	ssyncadd.s32 $0xFFFFFE00  }
0x12: {  	[tilespmem:s23], [sflag:$0x3] =	stream.linear.gather [hbm4b:s6+s2], $0x200, $0x38;
	[tilespmem:$0x10A00] =	vst v63  }
0x13: {  	_ =	swait.ge [sflag:s11], $0x200  }
0x14: {  	[sflag:s11] =	ssyncset.done $0x0  }
0x15: {  	[sflag:s11] =	ssyncadd.s32 $0xFFFFFE00  }
0x16: {  	[tilespmem:s12], [sflag:$0x3] =	stream.linear.gather [hbm4b:s7+s2], $0x200, $0x38;
	[tilespmem:$0x10A00] =	vst v63  }
0x17: {  	_ =	swait.ge [sflag:s11], $0x200  }
0x18: {  	[sflag:s11] =	ssyncset.done $0x0  }
0x19: {  	[sflag:s11] =	ssyncadd.s32 $0xFFFFFE00  }
0x1a: {  	[tilespmem:s13], [sflag:$0x3] =	stream.linear.gather [hbm4b:s8+s2], $0x200, $0x38;
	[tilespmem:$0x10A00] =	vst v63  }
0x1b: {  	_ =	swait.ge [sflag:s11], $0x200  }
0x1c: {  	[sflag:s11] =	ssyncset.done $0x0  }
0x1d: {  	[sflag:s11] =	ssyncadd.s32 $0xFFFFFE00  }
0x1e: {  	[tilespmem:s15], [sflag:$0x1] =	stream.indirect.gather [hbm4b:s3+s14], $0x80, s12, s14, $0xb8;
	[tilespmem:$0x10A00] =	vst v63  }
0x1f: {  	_ = 	snop  }
0x20: {  	[tilespmem:s16], [sflag:$0x2] =	stream.indirect.gather [hbm4b:s4+s14], $0x80, s13, s14, $0xb8;
	[tilespmem:$0x10A00] =	vst v63  }
0x21: {  	_ =	swait.ge [sflag:s17], $0x8000  }
0x22: {  	[sflag:s17] =	ssyncset.done $0x0  }
0x23: {  	[sflag:s17] =	ssyncadd.s32 $0xFFFF8000  }
0x24: {  	_ =	swait.ge [sflag:s18], $0x8000  }
0x25: {  	[sflag:s18] =	ssyncset.done $0x0  }
0x26: {  	[sflag:s18] =	ssyncadd.s32 $0xFFFF8000  }
0x27: {  	v1 =	vld [tilespmem:s2+$0x0]  }
0x28: {  	v2 =	vld [tilespmem:s23+$0x0];
	_ =	sdelay $0x2  }
0x29: {  	v3 =	vmov s2  }
0x2a: {  	v3 =	vshll.u32 v3, $0x7;
	v1 =	vshll.u32 v1, $0x4  }
0x2b: {  	v3 =	vor.u32 v0, v3;
	v2 =	vshll.u32 v2, $0x4;
	v1 =	vand.u32 $0x70, v1  }
0x2c: {  	v2 =	vand.u32 $0x70, v2;
	v1 =	vor.u32 v3, v1  }
0x2d: {  	v2 =	vor.u32 v3, v2  }
0x2e: {  	v3 =	vor.u32 $0x1, v1  }
0x2f: {  	v4 =	vor.u32 $0x1, v2  }
0x30: {  	v5 =	vor.u32 $0x2, v1  }
0x31: {  	v7 =	vor.u32 $0x2, v2;
	v6 =	vld.idx.msk [tilespmem:v1+s15+$0x0], $0xffff  }
0x32: {  	v9 =	vor.u32 $0x3, v1;
	v8 =	vld.idx.msk [tilespmem:v2+s16+$0x0], $0xffff  }
0x33: {  	v10 =	vor.u32 $0x3, v2;
	v3 =	vld.idx.msk [tilespmem:v3+s15+$0x0], $0xffff  }
0x34: {  	v11 =	vor.u32 $0x4, v1;
	v4 =	vld.idx.msk [tilespmem:v4+s16+$0x0], $0xffff  }
0x35: {  	v12 =	vor.u32 $0x4, v2;
	v5 =	vld.idx.msk [tilespmem:v5+s15+$0x0], $0xffff  }
0x36: {  	v13 =	vor.u32 $0x5, v1;
	v7 =	vld.idx.msk [tilespmem:v7+s16+$0x0], $0xffff  }
0x37: {  	v14 =	vor.u32 $0x5, v2;
	v9 =	vld.idx.msk [tilespmem:v9+s15+$0x0], $0xffff;
	v6 =	vmul.f32 v8, v6  }
0x38: {  	v25 =	vor.u32 $0x6, v1;
	v24 =	vld.idx.msk [tilespmem:v10+s16+$0x0], $0xffff  }
0x39: {  	v15 =	vor.u32 $0x6, v2;
	v11 =	vld.idx.msk [tilespmem:v11+s15+$0x0], $0xffff;
	v3 =	vmul.f32 v4, v3;
	v6 =	vadd.f32 $0.0e+00, v6  }
0x3a: {  	v27 =	vor.u32 $0x7, v1;
	v26 =	vld.idx.msk [tilespmem:v12+s16+$0x0], $0xffff  }
0x3b: {  	v16 =	vor.u32 $0x7, v2;
	v13 =	vld.idx.msk [tilespmem:v13+s15+$0x0], $0xffff;
	v5 =	vmul.f32 v7, v5;
	v3 =	vadd.f32 v3, v6  }
0x3c: {  	v30 =	vor.u32 $0x8, v2;
	v28 =	vld.idx.msk [tilespmem:v14+s16+$0x0], $0xffff  }
0x3d: {  	v29 =	vor.u32 $0x8, v1;
	v10 =	vld.idx.msk [tilespmem:v25+s15+$0x0], $0xffff;
	v31 =	vmul.f32 v24, v9;
	v3 =	vadd.f32 v5, v3  }
0x3e: {  	v34 =	vor.u32 $0x9, v2;
	v32 =	vld.idx.msk [tilespmem:v15+s16+$0x0], $0xffff  }
0x3f: {  	v33 =	vor.u32 $0x9, v1;
	v12 =	vld.idx.msk [tilespmem:v27+s15+$0x0], $0xffff;
	v4 =	vmul.f32 v26, v11;
	v3 =	vadd.f32 v31, v3  }
0x40: {  	v37 =	vor.u32 $0xA, v2;
	v35 =	vld.idx.msk [tilespmem:v16+s16+$0x0], $0xffff  }
0x41: {  	v36 =	vor.u32 $0xA, v1;
	v39 =	vld.idx.msk [tilespmem:v30+s16+$0x0], $0xffff;
	v38 =	vmul.f32 v28, v13;
	v3 =	vadd.f32 v4, v3  }
0x42: {  	v41 =	vor.u32 $0xB, v2;
	v7 =	vld.idx.msk [tilespmem:v29+s15+$0x0], $0xffff  }
0x43: {  	v40 =	vor.u32 $0xB, v1;
	v43 =	vld.idx.msk [tilespmem:v34+s16+$0x0], $0xffff;
	v42 =	vmul.f32 v32, v10;
	v3 =	vadd.f32 v38, v3  }
0x44: {  	v45 =	vor.u32 $0xC, v2;
	v9 =	vld.idx.msk [tilespmem:v33+s15+$0x0], $0xffff  }
0x45: {  	v44 =	vor.u32 $0xC, v1;
	v47 =	vld.idx.msk [tilespmem:v37+s16+$0x0], $0xffff;
	v46 =	vmul.f32 v35, v12;
	v3 =	vadd.f32 v42, v3  }
0x46: {  	v48 =	vor.u32 $0xD, v1;
	v11 =	vld.idx.msk [tilespmem:v36+s15+$0x0], $0xffff  }
0x47: {  	v49 =	vor.u32 $0xD, v2;
	v51 =	vld.idx.msk [tilespmem:v41+s16+$0x0], $0xffff;
	v50 =	vmul.f32 v39, v7;
	v3 =	vadd.f32 v46, v3  }
0x48: {  	v53 =	vor.u32 $0xE, v2;
	v13 =	vld.idx.msk [tilespmem:v40+s15+$0x0], $0xffff  }
0x49: {  	v52 =	vor.u32 $0xE, v1;
	v55 =	vld.idx.msk [tilespmem:v45+s16+$0x0], $0xffff;
	v54 =	vmul.f32 v43, v9;
	v3 =	vadd.f32 v50, v3  }
0x4a: {  	v1 =	vor.u32 $0xF, v1;
	v10 =	vld.idx.msk [tilespmem:v44+s15+$0x0], $0xffff  }
0x4b: {  	v2 =	vor.u32 $0xF, v2;
	v56 =	vld.idx.msk [tilespmem:v48+s15+$0x0], $0xffff;
	v57 =	vmul.f32 v47, v11;
	v3 =	vadd.f32 v54, v3  }
0x4c: {  	v58 =	vld.idx.msk [tilespmem:v49+s16+$0x0], $0xffff  }
0x4d: {  	v60 =	vld.idx.msk [tilespmem:v53+s16+$0x0], $0xffff;
	v59 =	vmul.f32 v51, v13;
	v3 =	vadd.f32 v57, v3  }
0x4e: {  	v7 =	vld.idx.msk [tilespmem:v52+s15+$0x0], $0xffff  }
0x4f: {  	v1 =	vld.idx.msk [tilespmem:v1+s15+$0x0], $0xffff;
	v61 =	vmul.f32 v55, v10;
	v3 =	vadd.f32 v59, v3  }
0x50: {  	v2 =	vld.idx.msk [tilespmem:v2+s16+$0x0], $0xffff  }
0x51: {  	v62 =	vmul.f32 v58, v56;
	v3 =	vadd.f32 v61, v3;
	_ =	sdelay $0x1  }
0x52: {  	v63 =	vmul.f32 v60, v7;
	v3 =	vadd.f32 v62, v3;
	_ =	sdelay $0x1  }
0x53: {  	v1 =	vmul.f32 v2, v1;
	v3 =	vadd.f32 v63, v3;
	_ =	sdelay $0x1  }
0x54: {  	v1 =	vadd.f32 v1, v3;
	_ =	sdelay $0x1  }
0x55: {  	s24 =	simm.s32 $0x10;
	[tilespmem:s21+$0x0] =	vst v1  }
0x56: {  	s25 =	simm.s32 $0x210;
	v1 =	vld [tilespmem:s24+$0x0]  }
0x57: {  	s26 =	simm.s32 $0x20;
	s28 =	simm.s32 $0x10;
	s23 =	simm.s32 $0x10800;
	v2 =	vld [tilespmem:s25+$0x0]  }
.LBB2_2:
0x58: {  	p0 =	sne.s32 s26, $0xF0;
	_ =	sdelay $0x1  }
0x59: {  	v3 =	vmov s24;
	s24 =	smov.u32 s26  }
0x5a: {  	v3 =	vshll.u32 v3, $0x7;
	v1 =	vshll.u32 v1, $0x4  }
0x5b: {  	v3 =	vor.u32 v0, v3;
	v1 =	vand.u32 $0x70, v1;
	v2 =	vshll.u32 v2, $0x4  }
0x5c: {  	v2 =	vand.u32 $0x70, v2;
	v1 =	vor.u32 v3, v1  }
0x5d: {  	v2 =	vor.u32 v3, v2  }
0x5e: {  	v3 =	vor.u32 $0x1, v1  }
0x5f: {  	v4 =	vor.u32 $0x1, v2  }
0x60: {  	v5 =	vor.u32 $0x2, v1  }
0x61: {  	v7 =	vor.u32 $0x2, v2;
	v6 =	vld.idx.msk [tilespmem:v1+s15+$0x0], $0xffff  }
0x62: {  	v9 =	vor.u32 $0x3, v1;
	v8 =	vld.idx.msk [tilespmem:v2+s16+$0x0], $0xffff  }
0x63: {  	v10 =	vor.u32 $0x3, v2;
	v3 =	vld.idx.msk [tilespmem:v3+s15+$0x0], $0xffff  }
0x64: {  	v11 =	vor.u32 $0x4, v1;
	v4 =	vld.idx.msk [tilespmem:v4+s16+$0x0], $0xffff  }
0x65: {  	v12 =	vor.u32 $0x4, v2;
	v5 =	vld.idx.msk [tilespmem:v5+s15+$0x0], $0xffff  }
0x66: {  	v13 =	vor.u32 $0x5, v1;
	v7 =	vld.idx.msk [tilespmem:v7+s16+$0x0], $0xffff  }
0x67: {  	v14 =	vor.u32 $0x5, v2;
	v9 =	vld.idx.msk [tilespmem:v9+s15+$0x0], $0xffff  }
0x68: {  	v6 =	vmul.f32 v8, v6;
	v8 =	vld.idx.msk [tilespmem:v10+s16+$0x0], $0xffff;
	v10 =	vor.u32 $0x6, v1  }
0x69: {  	v15 =	vor.u32 $0x6, v2;
	v11 =	vld.idx.msk [tilespmem:v11+s15+$0x0], $0xffff  }
0x6a: {  	v6 =	vadd.f32 $0.0e+00, v6;
	v3 =	vmul.f32 v4, v3;
	v4 =	vld.idx.msk [tilespmem:v12+s16+$0x0], $0xffff;
	v12 =	vor.u32 $0x7, v1  }
0x6b: {  	v16 =	vor.u32 $0x7, v2;
	v13 =	vld.idx.msk [tilespmem:v13+s15+$0x0], $0xffff  }
0x6c: {  	v3 =	vadd.f32 v3, v6;
	v5 =	vmul.f32 v7, v5;
	v7 =	vor.u32 $0x8, v1;
	v6 =	vld.idx.msk [tilespmem:v14+s16+$0x0], $0xffff  }
0x6d: {  	v14 =	vor.u32 $0x8, v2;
	v10 =	vld.idx.msk [tilespmem:v10+s15+$0x0], $0xffff  }
0x6e: {  	v3 =	vadd.f32 v5, v3;
	v5 =	vmul.f32 v8, v9;
	v9 =	vor.u32 $0x9, v1;
	v8 =	vld.idx.msk [tilespmem:v15+s16+$0x0], $0xffff  }
0x6f: {  	v15 =	vor.u32 $0x9, v2;
	v12 =	vld.idx.msk [tilespmem:v12+s15+$0x0], $0xffff  }
0x70: {  	v3 =	vadd.f32 v5, v3;
	v4 =	vmul.f32 v4, v11;
	v11 =	vor.u32 $0xA, v1;
	v5 =	vld.idx.msk [tilespmem:v16+s16+$0x0], $0xffff  }
0x71: {  	v16 =	vor.u32 $0xA, v2;
	v7 =	vld.idx.msk [tilespmem:v7+s15+$0x0], $0xffff  }
0x72: {  	v3 =	vadd.f32 v4, v3;
	v4 =	vmul.f32 v6, v13;
	v13 =	vor.u32 $0xB, v1;
	v6 =	vld.idx.msk [tilespmem:v14+s16+$0x0], $0xffff  }
0x73: {  	v14 =	vor.u32 $0xB, v2;
	v9 =	vld.idx.msk [tilespmem:v9+s15+$0x0], $0xffff  }
0x74: {  	v3 =	vadd.f32 v4, v3;
	v4 =	vmul.f32 v8, v10;
	v10 =	vor.u32 $0xC, v1;
	v8 =	vld.idx.msk [tilespmem:v15+s16+$0x0], $0xffff  }
0x75: {  	v15 =	vor.u32 $0xC, v2;
	v11 =	vld.idx.msk [tilespmem:v11+s15+$0x0], $0xffff  }
0x76: {  	v3 =	vadd.f32 v4, v3;
	v4 =	vmul.f32 v5, v12;
	v12 =	vor.u32 $0xD, v1;
	v5 =	vld.idx.msk [tilespmem:v16+s16+$0x0], $0xffff  }
0x77: {  	v16 =	vor.u32 $0xD, v2;
	v13 =	vld.idx.msk [tilespmem:v13+s15+$0x0], $0xffff  }
0x78: {  	v3 =	vadd.f32 v4, v3;
	v4 =	vmul.f32 v6, v7;
	v7 =	vor.u32 $0xE, v1;
	v6 =	vld.idx.msk [tilespmem:v14+s16+$0x0], $0xffff  }
0x79: {  	v14 =	vor.u32 $0xE, v2;
	v10 =	vld.idx.msk [tilespmem:v10+s15+$0x0], $0xffff  }
0x7a: {  	v1 =	vor.u32 $0xF, v1;
	v3 =	vadd.f32 v4, v3;
	v4 =	vmul.f32 v8, v9;
	v8 =	vld.idx.msk [tilespmem:v15+s16+$0x0], $0xffff  }
0x7b: {  	v2 =	vor.u32 $0xF, v2;
	v9 =	vld.idx.msk [tilespmem:v12+s15+$0x0], $0xffff  }
0x7c: {  	v3 =	vadd.f32 v4, v3;
	v4 =	vmul.f32 v5, v11;
	v5 =	vld.idx.msk [tilespmem:v16+s16+$0x0], $0xffff  }
0x7d: {  	v7 =	vld.idx.msk [tilespmem:v7+s15+$0x0], $0xffff  }
0x7e: {  	v3 =	vadd.f32 v4, v3;
	v4 =	vmul.f32 v6, v13;
	v6 =	vld.idx.msk [tilespmem:v14+s16+$0x0], $0xffff  }
0x7f: {  	v1 =	vld.idx.msk [tilespmem:v1+s15+$0x0], $0xffff  }
0x80: {  	v3 =	vadd.f32 v4, v3;
	v4 =	vmul.f32 v8, v10;
	v2 =	vld.idx.msk [tilespmem:v2+s16+$0x0], $0xffff;
	_ =	sdelay $0x1  }
0x81: {  	v3 =	vadd.f32 v4, v3;
	v4 =	vmul.f32 v5, v9;
	_ =	sdelay $0x1  }
0x82: {  	v3 =	vadd.f32 v4, v3;
	v4 =	vmul.f32 v6, v7;
	_ =	sdelay $0x1  }
0x83: {  	v3 =	vadd.f32 v4, v3;
	v1 =	vmul.f32 v2, v1;
	_ =	sdelay $0x1  }
.Ltmp0:
0x84: {  	v1 =	vadd.f32 v1, v3;
	(pc) =	sbr.rel @p0 .LBB2_2-.Ltmp0, $4  }
0x85: {  	s23 =	sadd.s32 $0x10, s23  }
0x86: {  	s28 =	sadd.s32 $0x10, s28;
	[tilespmem:s23+$0x0] =	vst v1  }
0x87: {  	s25 =	sadd.s32 $0x10, s25;
	v1 =	vld [tilespmem:s28+$0x0]  }
0x88: {  	s26 =	sadd.s32 $0x10, s26;
	v2 =	vld [tilespmem:s25+$0x0]  }
0x89: {  	_ =	sdelay $0x1  }
0x8a: {  	v3 =	vmov s24  }
0x8b: {  	v3 =	vshll.u32 v3, $0x7;
	v1 =	vshll.u32 v1, $0x4  }
0x8c: {  	v3 =	vor.u32 v0, v3;
	v1 =	vand.u32 $0x70, v1;
	v2 =	vshll.u32 v2, $0x4  }
0x8d: {  	v2 =	vand.u32 $0x70, v2;
	v1 =	vor.u32 v3, v1  }
0x8e: {  	v2 =	vor.u32 v3, v2  }
0x8f: {  	v3 =	vor.u32 $0x1, v1  }
0x90: {  	v4 =	vor.u32 $0x1, v2  }
0x91: {  	v5 =	vor.u32 $0x2, v1  }
0x92: {  	v7 =	vor.u32 $0x2, v2;
	v6 =	vld.idx.msk [tilespmem:v1+s15+$0x0], $0xffff  }
0x93: {  	v9 =	vor.u32 $0x3, v1;
	v8 =	vld.idx.msk [tilespmem:v2+s16+$0x0], $0xffff  }
0x94: {  	v10 =	vor.u32 $0x3, v2;
	v3 =	vld.idx.msk [tilespmem:v3+s15+$0x0], $0xffff  }
0x95: {  	v11 =	vor.u32 $0x4, v1;
	v4 =	vld.idx.msk [tilespmem:v4+s16+$0x0], $0xffff  }
0x96: {  	v12 =	vor.u32 $0x4, v2;
	v5 =	vld.idx.msk [tilespmem:v5+s15+$0x0], $0xffff  }
0x97: {  	v13 =	vor.u32 $0x5, v1;
	v7 =	vld.idx.msk [tilespmem:v7+s16+$0x0], $0xffff  }
0x98: {  	v14 =	vor.u32 $0x5, v2;
	v9 =	vld.idx.msk [tilespmem:v9+s15+$0x0], $0xffff;
	v6 =	vmul.f32 v8, v6  }
0x99: {  	v20 =	vor.u32 $0x6, v1;
	v63 =	vld.idx.msk [tilespmem:v10+s16+$0x0], $0xffff  }
0x9a: {  	v15 =	vor.u32 $0x6, v2;
	v11 =	vld.idx.msk [tilespmem:v11+s15+$0x0], $0xffff;
	v3 =	vmul.f32 v4, v3;
	v6 =	vadd.f32 $0.0e+00, v6  }
0x9b: {  	v22 =	vor.u32 $0x7, v1;
	v21 =	vld.idx.msk [tilespmem:v12+s16+$0x0], $0xffff  }
0x9c: {  	v16 =	vor.u32 $0x7, v2;
	v13 =	vld.idx.msk [tilespmem:v13+s15+$0x0], $0xffff;
	v5 =	vmul.f32 v7, v5;
	v3 =	vadd.f32 v3, v6  }
0x9d: {  	v25 =	vor.u32 $0x8, v2;
	v23 =	vld.idx.msk [tilespmem:v14+s16+$0x0], $0xffff  }
0x9e: {  	v24 =	vor.u32 $0x8, v1;
	v10 =	vld.idx.msk [tilespmem:v20+s15+$0x0], $0xffff;
	v26 =	vmul.f32 v63, v9;
	v3 =	vadd.f32 v5, v3  }
0x9f: {  	v29 =	vor.u32 $0x9, v2;
	v27 =	vld.idx.msk [tilespmem:v15+s16+$0x0], $0xffff  }
0xa0: {  	v28 =	vor.u32 $0x9, v1;
	v12 =	vld.idx.msk [tilespmem:v22+s15+$0x0], $0xffff;
	v4 =	vmul.f32 v21, v11;
	v3 =	vadd.f32 v26, v3  }
0xa1: {  	v32 =	vor.u32 $0xA, v2;
	v30 =	vld.idx.msk [tilespmem:v16+s16+$0x0], $0xffff  }
0xa2: {  	v31 =	vor.u32 $0xA, v1;
	v34 =	vld.idx.msk [tilespmem:v25+s16+$0x0], $0xffff;
	v33 =	vmul.f32 v23, v13;
	v3 =	vadd.f32 v4, v3  }
0xa3: {  	v36 =	vor.u32 $0xB, v2;
	v7 =	vld.idx.msk [tilespmem:v24+s15+$0x0], $0xffff  }
0xa4: {  	v35 =	vor.u32 $0xB, v1;
	v38 =	vld.idx.msk [tilespmem:v29+s16+$0x0], $0xffff;
	v37 =	vmul.f32 v27, v10;
	v3 =	vadd.f32 v33, v3  }
0xa5: {  	v40 =	vor.u32 $0xC, v2;
	v9 =	vld.idx.msk [tilespmem:v28+s15+$0x0], $0xffff  }
0xa6: {  	v39 =	vor.u32 $0xC, v1;
	v42 =	vld.idx.msk [tilespmem:v32+s16+$0x0], $0xffff;
	v41 =	vmul.f32 v30, v12;
	v3 =	vadd.f32 v37, v3  }
0xa7: {  	v43 =	vor.u32 $0xD, v1;
	v11 =	vld.idx.msk [tilespmem:v31+s15+$0x0], $0xffff  }
0xa8: {  	v44 =	vor.u32 $0xD, v2;
	v46 =	vld.idx.msk [tilespmem:v36+s16+$0x0], $0xffff;
	v45 =	vmul.f32 v34, v7;
	v3 =	vadd.f32 v41, v3  }
0xa9: {  	v48 =	vor.u32 $0xE, v2;
	v13 =	vld.idx.msk [tilespmem:v35+s15+$0x0], $0xffff  }
0xaa: {  	v47 =	vor.u32 $0xE, v1;
	v50 =	vld.idx.msk [tilespmem:v40+s16+$0x0], $0xffff;
	v49 =	vmul.f32 v38, v9;
	v3 =	vadd.f32 v45, v3  }
0xab: {  	v1 =	vor.u32 $0xF, v1;
	v10 =	vld.idx.msk [tilespmem:v39+s15+$0x0], $0xffff  }
0xac: {  	v51 =	vld.idx.msk [tilespmem:v43+s15+$0x0], $0xffff;
	v2 =	vor.u32 $0xF, v2;
	v52 =	vmul.f32 v42, v11;
	v3 =	vadd.f32 v49, v3  }
0xad: {  	v53 =	vld.idx.msk [tilespmem:v44+s16+$0x0], $0xffff  }
0xae: {  	v55 =	vld.idx.msk [tilespmem:v48+s16+$0x0], $0xffff;
	v54 =	vmul.f32 v46, v13;
	v3 =	vadd.f32 v52, v3  }
0xaf: {  	v7 =	vld.idx.msk [tilespmem:v47+s15+$0x0], $0xffff  }
0xb0: {  	v1 =	vld.idx.msk [tilespmem:v1+s15+$0x0], $0xffff;
	v56 =	vmul.f32 v50, v10;
	v3 =	vadd.f32 v54, v3  }
0xb1: {  	v2 =	vld.idx.msk [tilespmem:v2+s16+$0x0], $0xffff  }
0xb2: {  	v57 =	vmul.f32 v53, v51;
	v3 =	vadd.f32 v56, v3;
	_ =	sdelay $0x1  }
0xb3: {  	v58 =	vmul.f32 v55, v7;
	v3 =	vadd.f32 v57, v3;
	_ =	sdelay $0x1  }
0xb4: {  	v1 =	vmul.f32 v2, v1;
	v3 =	vadd.f32 v58, v3;
	_ =	sdelay $0x1  }
0xb5: {  	v1 =	vadd.f32 v1, v3  }
0xb6: {  	s23 =	sadd.s32 $0x10, s23  }
0xb7: {  	s29 =	simm.s32 $0x100;
	[tilespmem:s23+$0x0] =	vst v1  }
0xb8: {  	[tilespmem:s15], [sflag:$0x1] =	stream.indirect.gather [hbm4b:s3+s29], $0x80, s19, s29, $0xb8;
	[tilespmem:$0x10A00] =	vst v63  }
0xb9: {  	_ = 	snop  }
0xba: {  	[tilespmem:s16], [sflag:$0x2] =	stream.indirect.gather [hbm4b:s4+s29], $0x80, s20, s29, $0xb8;
	[tilespmem:$0x10A00] =	vst v63  }
0xbb: {  	_ =	swait.ge [sflag:s17], $0x8000  }
0xbc: {  	[sflag:s17] =	ssyncset.done $0x0  }
0xbd: {  	[sflag:s17] =	ssyncadd.s32 $0xFFFF8000  }
0xbe: {  	_ =	swait.ge [sflag:s18], $0x8000  }
0xbf: {  	[sflag:s18] =	ssyncset.done $0x0  }
0xc0: {  	[sflag:s18] =	ssyncadd.s32 $0xFFFF8000  }
0xc1: {  	s30 =	simm.s32 $0x300;
	v1 =	vld [tilespmem:s29+$0x0]  }
0xc2: {  	v2 =	vld [tilespmem:s30+$0x0];
	_ =	sdelay $0x1  }
0xc3: {  	s31 =	simm.s32 $0x0  }
0xc4: {  	v3 =	vmov s31  }
0xc5: {  	v3 =	vshll.u32 v3, $0x7;
	v1 =	vshll.u32 v1, $0x4  }
0xc6: {  	v3 =	vor.u32 v0, v3;
	v2 =	vshll.u32 v2, $0x4;
	v1 =	vand.u32 $0x70, v1  }
0xc7: {  	v2 =	vand.u32 $0x70, v2;
	v1 =	vor.u32 v3, v1  }
0xc8: {  	v2 =	vor.u32 v3, v2  }
0xc9: {  	v3 =	vor.u32 $0x1, v1  }
0xca: {  	v59 =	vor.u32 $0x1, v2  }
0xcb: {  	v60 =	vor.u32 $0x2, v1  }
0xcc: {  	v62 =	vor.u32 $0x2, v2;
	v61 =	vld.idx.msk [tilespmem:v1+s15+$0x0], $0xffff  }
0xcd: {  	v16 =	vor.u32 $0x3, v1;
	v63 =	vld.idx.msk [tilespmem:v2+s16+$0x0], $0xffff  }
0xce: {  	v17 =	vor.u32 $0x3, v2;
	v3 =	vld.idx.msk [tilespmem:v3+s15+$0x0], $0xffff  }
0xcf: {  	v18 =	vor.u32 $0x4, v1;
	v4 =	vld.idx.msk [tilespmem:v59+s16+$0x0], $0xffff  }
0xd0: {  	v19 =	vor.u32 $0x4, v2;
	v5 =	vld.idx.msk [tilespmem:v60+s15+$0x0], $0xffff  }
0xd1: {  	v20 =	vor.u32 $0x5, v1;
	v7 =	vld.idx.msk [tilespmem:v62+s16+$0x0], $0xffff  }
0xd2: {  	v21 =	vor.u32 $0x5, v2;
	v9 =	vld.idx.msk [tilespmem:v16+s15+$0x0], $0xffff;
	v6 =	vmul.f32 v63, v61  }
0xd3: {  	v23 =	vor.u32 $0x6, v1;
	v22 =	vld.idx.msk [tilespmem:v17+s16+$0x0], $0xffff  }
0xd4: {  	v24 =	vor.u32 $0x6, v2;
	v11 =	vld.idx.msk [tilespmem:v18+s15+$0x0], $0xffff;
	v3 =	vmul.f32 v4, v3;
	v6 =	vadd.f32 $0.0e+00, v6  }
0xd5: {  	v26 =	vor.u32 $0x7, v1;
	v25 =	vld.idx.msk [tilespmem:v19+s16+$0x0], $0xffff  }
0xd6: {  	v27 =	vor.u32 $0x7, v2;
	v13 =	vld.idx.msk [tilespmem:v20+s15+$0x0], $0xffff;
	v5 =	vmul.f32 v7, v5;
	v3 =	vadd.f32 v3, v6  }
0xd7: {  	v30 =	vor.u32 $0x8, v2;
	v28 =	vld.idx.msk [tilespmem:v21+s16+$0x0], $0xffff  }
0xd8: {  	v29 =	vor.u32 $0x8, v1;
	v10 =	vld.idx.msk [tilespmem:v23+s15+$0x0], $0xffff;
	v31 =	vmul.f32 v22, v9;
	v3 =	vadd.f32 v5, v3  }
0xd9: {  	v34 =	vor.u32 $0x9, v2;
	v32 =	vld.idx.msk [tilespmem:v24+s16+$0x0], $0xffff  }
0xda: {  	v33 =	vor.u32 $0x9, v1;
	v12 =	vld.idx.msk [tilespmem:v26+s15+$0x0], $0xffff;
	v4 =	vmul.f32 v25, v11;
	v3 =	vadd.f32 v31, v3  }
0xdb: {  	v37 =	vor.u32 $0xA, v2;
	v35 =	vld.idx.msk [tilespmem:v27+s16+$0x0], $0xffff  }
0xdc: {  	v36 =	vor.u32 $0xA, v1;
	v39 =	vld.idx.msk [tilespmem:v30+s16+$0x0], $0xffff;
	v38 =	vmul.f32 v28, v13;
	v3 =	vadd.f32 v4, v3  }
0xdd: {  	v41 =	vor.u32 $0xB, v2;
	v7 =	vld.idx.msk [tilespmem:v29+s15+$0x0], $0xffff  }
0xde: {  	v40 =	vor.u32 $0xB, v1;
	v43 =	vld.idx.msk [tilespmem:v34+s16+$0x0], $0xffff;
	v42 =	vmul.f32 v32, v10;
	v3 =	vadd.f32 v38, v3  }
0xdf: {  	v45 =	vor.u32 $0xC, v2;
	v9 =	vld.idx.msk [tilespmem:v33+s15+$0x0], $0xffff  }
0xe0: {  	v44 =	vor.u32 $0xC, v1;
	v47 =	vld.idx.msk [tilespmem:v37+s16+$0x0], $0xffff;
	v46 =	vmul.f32 v35, v12;
	v3 =	vadd.f32 v42, v3  }
0xe1: {  	v48 =	vor.u32 $0xD, v1;
	v11 =	vld.idx.msk [tilespmem:v36+s15+$0x0], $0xffff  }
0xe2: {  	v49 =	vor.u32 $0xD, v2;
	v51 =	vld.idx.msk [tilespmem:v41+s16+$0x0], $0xffff;
	v50 =	vmul.f32 v39, v7;
	v3 =	vadd.f32 v46, v3  }
0xe3: {  	v53 =	vor.u32 $0xE, v2;
	v13 =	vld.idx.msk [tilespmem:v40+s15+$0x0], $0xffff  }
0xe4: {  	v52 =	vor.u32 $0xE, v1;
	v55 =	vld.idx.msk [tilespmem:v45+s16+$0x0], $0xffff;
	v54 =	vmul.f32 v43, v9;
	v3 =	vadd.f32 v50, v3  }
0xe5: {  	v1 =	vor.u32 $0xF, v1;
	v10 =	vld.idx.msk [tilespmem:v44+s15+$0x0], $0xffff  }
0xe6: {  	v2 =	vor.u32 $0xF, v2;
	v56 =	vld.idx.msk [tilespmem:v48+s15+$0x0], $0xffff;
	v57 =	vmul.f32 v47, v11;
	v3 =	vadd.f32 v54, v3  }
0xe7: {  	v58 =	vld.idx.msk [tilespmem:v49+s16+$0x0], $0xffff  }
0xe8: {  	v60 =	vld.idx.msk [tilespmem:v53+s16+$0x0], $0xffff;
	v59 =	vmul.f32 v51, v13;
	v3 =	vadd.f32 v57, v3  }
0xe9: {  	v7 =	vld.idx.msk [tilespmem:v52+s15+$0x0], $0xffff  }
0xea: {  	v1 =	vld.idx.msk [tilespmem:v1+s15+$0x0], $0xffff;
	v61 =	vmul.f32 v55, v10;
	v3 =	vadd.f32 v59, v3  }
0xeb: {  	v2 =	vld.idx.msk [tilespmem:v2+s16+$0x0], $0xffff  }
0xec: {  	v62 =	vmul.f32 v58, v56;
	v3 =	vadd.f32 v61, v3;
	_ =	sdelay $0x1  }
0xed: {  	v63 =	vmul.f32 v60, v7;
	v3 =	vadd.f32 v62, v3;
	_ =	sdelay $0x1  }
0xee: {  	v1 =	vmul.f32 v2, v1;
	v3 =	vadd.f32 v63, v3;
	_ =	sdelay $0x1  }
0xef: {  	v1 =	vadd.f32 v1, v3  }
0xf0: {  	s23 =	simm.s32 $0x10900  }
0xf1: {  	s24 =	simm.s32 $0x110;
	[tilespmem:s23+$0x0] =	vst v1  }
0xf2: {  	s25 =	simm.s32 $0x310;
	v1 =	vld [tilespmem:s24+$0x0]  }
0xf3: {  	s26 =	simm.s32 $0x10;
	s28 =	simm.s32 $0x20;
	v2 =	vld [tilespmem:s25+$0x0]  }
.LBB2_4:
0xf4: {  	p0 =	sne.s32 s28, $0xF0;
	_ =	sdelay $0x1  }
0xf5: {  	v3 =	vmov s26;
	s26 =	smov.u32 s28  }
0xf6: {  	v3 =	vshll.u32 v3, $0x7;
	v1 =	vshll.u32 v1, $0x4  }
0xf7: {  	v3 =	vor.u32 v0, v3;
	v1 =	vand.u32 $0x70, v1;
	v2 =	vshll.u32 v2, $0x4  }
0xf8: {  	v2 =	vand.u32 $0x70, v2;
	v1 =	vor.u32 v3, v1  }
0xf9: {  	v2 =	vor.u32 v3, v2  }
0xfa: {  	v3 =	vor.u32 $0x1, v1  }
0xfb: {  	v4 =	vor.u32 $0x1, v2  }
0xfc: {  	v5 =	vor.u32 $0x2, v1  }
0xfd: {  	v7 =	vor.u32 $0x2, v2;
	v6 =	vld.idx.msk [tilespmem:v1+s15+$0x0], $0xffff  }
0xfe: {  	v9 =	vor.u32 $0x3, v1;
	v8 =	vld.idx.msk [tilespmem:v2+s16+$0x0], $0xffff  }
0xff: {  	v10 =	vor.u32 $0x3, v2;
	v3 =	vld.idx.msk [tilespmem:v3+s15+$0x0], $0xffff  }
0x100: {  	v11 =	vor.u32 $0x4, v1;
	v4 =	vld.idx.msk [tilespmem:v4+s16+$0x0], $0xffff  }
0x101: {  	v12 =	vor.u32 $0x4, v2;
	v5 =	vld.idx.msk [tilespmem:v5+s15+$0x0], $0xffff  }
0x102: {  	v13 =	vor.u32 $0x5, v1;
	v7 =	vld.idx.msk [tilespmem:v7+s16+$0x0], $0xffff  }
0x103: {  	v14 =	vor.u32 $0x5, v2;
	v9 =	vld.idx.msk [tilespmem:v9+s15+$0x0], $0xffff  }
0x104: {  	v6 =	vmul.f32 v8, v6;
	v8 =	vld.idx.msk [tilespmem:v10+s16+$0x0], $0xffff;
	v10 =	vor.u32 $0x6, v1  }
0x105: {  	v15 =	vor.u32 $0x6, v2;
	v11 =	vld.idx.msk [tilespmem:v11+s15+$0x0], $0xffff  }
0x106: {  	v6 =	vadd.f32 $0.0e+00, v6;
	v3 =	vmul.f32 v4, v3;
	v4 =	vld.idx.msk [tilespmem:v12+s16+$0x0], $0xffff;
	v12 =	vor.u32 $0x7, v1  }
0x107: {  	v16 =	vor.u32 $0x7, v2;
	v13 =	vld.idx.msk [tilespmem:v13+s15+$0x0], $0xffff  }
0x108: {  	v3 =	vadd.f32 v3, v6;
	v5 =	vmul.f32 v7, v5;
	v7 =	vor.u32 $0x8, v1;
	v6 =	vld.idx.msk [tilespmem:v14+s16+$0x0], $0xffff  }
0x109: {  	v14 =	vor.u32 $0x8, v2;
	v10 =	vld.idx.msk [tilespmem:v10+s15+$0x0], $0xffff  }
0x10a: {  	v3 =	vadd.f32 v5, v3;
	v5 =	vmul.f32 v8, v9;
	v9 =	vor.u32 $0x9, v1;
	v8 =	vld.idx.msk [tilespmem:v15+s16+$0x0], $0xffff  }
0x10b: {  	v15 =	vor.u32 $0x9, v2;
	v12 =	vld.idx.msk [tilespmem:v12+s15+$0x0], $0xffff  }
0x10c: {  	v3 =	vadd.f32 v5, v3;
	v4 =	vmul.f32 v4, v11;
	v11 =	vor.u32 $0xA, v1;
	v5 =	vld.idx.msk [tilespmem:v16+s16+$0x0], $0xffff  }
0x10d: {  	v16 =	vor.u32 $0xA, v2;
	v7 =	vld.idx.msk [tilespmem:v7+s15+$0x0], $0xffff  }
0x10e: {  	v3 =	vadd.f32 v4, v3;
	v4 =	vmul.f32 v6, v13;
	v13 =	vor.u32 $0xB, v1;
	v6 =	vld.idx.msk [tilespmem:v14+s16+$0x0], $0xffff  }
0x10f: {  	v14 =	vor.u32 $0xB, v2;
	v9 =	vld.idx.msk [tilespmem:v9+s15+$0x0], $0xffff  }
0x110: {  	v3 =	vadd.f32 v4, v3;
	v4 =	vmul.f32 v8, v10;
	v10 =	vor.u32 $0xC, v1;
	v8 =	vld.idx.msk [tilespmem:v15+s16+$0x0], $0xffff  }
0x111: {  	v15 =	vor.u32 $0xC, v2;
	v11 =	vld.idx.msk [tilespmem:v11+s15+$0x0], $0xffff  }
0x112: {  	v3 =	vadd.f32 v4, v3;
	v4 =	vmul.f32 v5, v12;
	v12 =	vor.u32 $0xD, v1;
	v5 =	vld.idx.msk [tilespmem:v16+s16+$0x0], $0xffff  }
0x113: {  	v16 =	vor.u32 $0xD, v2;
	v13 =	vld.idx.msk [tilespmem:v13+s15+$0x0], $0xffff  }
0x114: {  	v3 =	vadd.f32 v4, v3;
	v4 =	vmul.f32 v6, v7;
	v7 =	vor.u32 $0xE, v1;
	v6 =	vld.idx.msk [tilespmem:v14+s16+$0x0], $0xffff  }
0x115: {  	v14 =	vor.u32 $0xE, v2;
	v10 =	vld.idx.msk [tilespmem:v10+s15+$0x0], $0xffff  }
0x116: {  	v1 =	vor.u32 $0xF, v1;
	v3 =	vadd.f32 v4, v3;
	v4 =	vmul.f32 v8, v9;
	v8 =	vld.idx.msk [tilespmem:v15+s16+$0x0], $0xffff  }
0x117: {  	v2 =	vor.u32 $0xF, v2;
	v9 =	vld.idx.msk [tilespmem:v12+s15+$0x0], $0xffff  }
0x118: {  	v3 =	vadd.f32 v4, v3;
	v4 =	vmul.f32 v5, v11;
	v5 =	vld.idx.msk [tilespmem:v16+s16+$0x0], $0xffff  }
0x119: {  	v7 =	vld.idx.msk [tilespmem:v7+s15+$0x0], $0xffff  }
0x11a: {  	v3 =	vadd.f32 v4, v3;
	v4 =	vmul.f32 v6, v13;
	v6 =	vld.idx.msk [tilespmem:v14+s16+$0x0], $0xffff  }
0x11b: {  	v1 =	vld.idx.msk [tilespmem:v1+s15+$0x0], $0xffff  }
0x11c: {  	v3 =	vadd.f32 v4, v3;
	v4 =	vmul.f32 v8, v10;
	v2 =	vld.idx.msk [tilespmem:v2+s16+$0x0], $0xffff;
	_ =	sdelay $0x1  }
0x11d: {  	v3 =	vadd.f32 v4, v3;
	v4 =	vmul.f32 v5, v9;
	_ =	sdelay $0x1  }
0x11e: {  	v3 =	vadd.f32 v4, v3;
	v4 =	vmul.f32 v6, v7;
	_ =	sdelay $0x1  }
0x11f: {  	v3 =	vadd.f32 v4, v3;
	v1 =	vmul.f32 v2, v1;
	_ =	sdelay $0x1  }
.Ltmp1:
0x120: {  	v1 =	vadd.f32 v1, v3;
	(pc) =	sbr.rel @p0 .LBB2_4-.Ltmp1, $4  }
0x121: {  	s23 =	sadd.s32 $0x10, s23  }
0x122: {  	s24 =	sadd.s32 $0x10, s24;
	[tilespmem:s23+$0x0] =	vst v1  }
0x123: {  	s25 =	sadd.s32 $0x10, s25;
	v1 =	vld [tilespmem:s24+$0x0]  }
0x124: {  	s28 =	sadd.s32 $0x10, s28;
	v2 =	vld [tilespmem:s25+$0x0]  }
0x125: {  	_ =	sdelay $0x1  }
0x126: {  	v3 =	vmov s26  }
0x127: {  	v3 =	vshll.u32 v3, $0x7;
	v1 =	vshll.u32 v1, $0x4  }
0x128: {  	v3 =	vor.u32 v0, v3;
	v1 =	vand.u32 $0x70, v1;
	v2 =	vshll.u32 v2, $0x4  }
0x129: {  	v2 =	vand.u32 $0x70, v2;
	v1 =	vor.u32 v3, v1  }
0x12a: {  	v2 =	vor.u32 v3, v2  }
0x12b: {  	v3 =	vor.u32 $0x1, v1  }
0x12c: {  	v4 =	vor.u32 $0x1, v2  }
0x12d: {  	v5 =	vor.u32 $0x2, v1  }
0x12e: {  	v7 =	vor.u32 $0x2, v2;
	v6 =	vld.idx.msk [tilespmem:v1+s15+$0x0], $0xffff  }
0x12f: {  	v9 =	vor.u32 $0x3, v1;
	v8 =	vld.idx.msk [tilespmem:v2+s16+$0x0], $0xffff  }
0x130: {  	v10 =	vor.u32 $0x3, v2;
	v3 =	vld.idx.msk [tilespmem:v3+s15+$0x0], $0xffff  }
0x131: {  	v11 =	vor.u32 $0x4, v1;
	v4 =	vld.idx.msk [tilespmem:v4+s16+$0x0], $0xffff  }
0x132: {  	v12 =	vor.u32 $0x4, v2;
	v5 =	vld.idx.msk [tilespmem:v5+s15+$0x0], $0xffff  }
0x133: {  	v13 =	vor.u32 $0x5, v1;
	v7 =	vld.idx.msk [tilespmem:v7+s16+$0x0], $0xffff  }
0x134: {  	v14 =	vor.u32 $0x5, v2;
	v9 =	vld.idx.msk [tilespmem:v9+s15+$0x0], $0xffff;
	v6 =	vmul.f32 v8, v6  }
0x135: {  	v25 =	vor.u32 $0x6, v1;
	v24 =	vld.idx.msk [tilespmem:v10+s16+$0x0], $0xffff  }
0x136: {  	v15 =	vor.u32 $0x6, v2;
	v11 =	vld.idx.msk [tilespmem:v11+s15+$0x0], $0xffff;
	v3 =	vmul.f32 v4, v3;
	v6 =	vadd.f32 $0.0e+00, v6  }
0x137: {  	v27 =	vor.u32 $0x7, v1;
	v26 =	vld.idx.msk [tilespmem:v12+s16+$0x0], $0xffff  }
0x138: {  	v16 =	vor.u32 $0x7, v2;
	v13 =	vld.idx.msk [tilespmem:v13+s15+$0x0], $0xffff;
	v5 =	vmul.f32 v7, v5;
	v3 =	vadd.f32 v3, v6  }
0x139: {  	v30 =	vor.u32 $0x8, v2;
	v28 =	vld.idx.msk [tilespmem:v14+s16+$0x0], $0xffff  }
0x13a: {  	v29 =	vor.u32 $0x8, v1;
	v10 =	vld.idx.msk [tilespmem:v25+s15+$0x0], $0xffff;
	v31 =	vmul.f32 v24, v9;
	v3 =	vadd.f32 v5, v3  }
0x13b: {  	v34 =	vor.u32 $0x9, v2;
	v32 =	vld.idx.msk [tilespmem:v15+s16+$0x0], $0xffff  }
0x13c: {  	v33 =	vor.u32 $0x9, v1;
	v12 =	vld.idx.msk [tilespmem:v27+s15+$0x0], $0xffff;
	v4 =	vmul.f32 v26, v11;
	v3 =	vadd.f32 v31, v3  }
0x13d: {  	v37 =	vor.u32 $0xA, v2;
	v35 =	vld.idx.msk [tilespmem:v16+s16+$0x0], $0xffff  }
0x13e: {  	v36 =	vor.u32 $0xA, v1;
	v39 =	vld.idx.msk [tilespmem:v30+s16+$0x0], $0xffff;
	v38 =	vmul.f32 v28, v13;
	v3 =	vadd.f32 v4, v3  }
0x13f: {  	v41 =	vor.u32 $0xB, v2;
	v7 =	vld.idx.msk [tilespmem:v29+s15+$0x0], $0xffff  }
0x140: {  	v40 =	vor.u32 $0xB, v1;
	v43 =	vld.idx.msk [tilespmem:v34+s16+$0x0], $0xffff;
	v42 =	vmul.f32 v32, v10;
	v3 =	vadd.f32 v38, v3  }
0x141: {  	v45 =	vor.u32 $0xC, v2;
	v9 =	vld.idx.msk [tilespmem:v33+s15+$0x0], $0xffff  }
0x142: {  	v44 =	vor.u32 $0xC, v1;
	v47 =	vld.idx.msk [tilespmem:v37+s16+$0x0], $0xffff;
	v46 =	vmul.f32 v35, v12;
	v3 =	vadd.f32 v42, v3  }
0x143: {  	v48 =	vor.u32 $0xD, v1;
	v11 =	vld.idx.msk [tilespmem:v36+s15+$0x0], $0xffff  }
0x144: {  	v49 =	vor.u32 $0xD, v2;
	v51 =	vld.idx.msk [tilespmem:v41+s16+$0x0], $0xffff;
	v50 =	vmul.f32 v39, v7;
	v3 =	vadd.f32 v46, v3  }
0x145: {  	v53 =	vor.u32 $0xE, v2;
	v13 =	vld.idx.msk [tilespmem:v40+s15+$0x0], $0xffff  }
0x146: {  	v52 =	vor.u32 $0xE, v1;
	v55 =	vld.idx.msk [tilespmem:v45+s16+$0x0], $0xffff;
	v54 =	vmul.f32 v43, v9;
	v3 =	vadd.f32 v50, v3  }
0x147: {  	v1 =	vor.u32 $0xF, v1;
	v10 =	vld.idx.msk [tilespmem:v44+s15+$0x0], $0xffff  }
0x148: {  	v56 =	vld.idx.msk [tilespmem:v48+s15+$0x0], $0xffff;
	v2 =	vor.u32 $0xF, v2;
	v57 =	vmul.f32 v47, v11;
	v3 =	vadd.f32 v54, v3  }
0x149: {  	v58 =	vld.idx.msk [tilespmem:v49+s16+$0x0], $0xffff  }
0x14a: {  	v60 =	vld.idx.msk [tilespmem:v53+s16+$0x0], $0xffff;
	v59 =	vmul.f32 v51, v13;
	v3 =	vadd.f32 v57, v3  }
0x14b: {  	v7 =	vld.idx.msk [tilespmem:v52+s15+$0x0], $0xffff  }
0x14c: {  	v1 =	vld.idx.msk [tilespmem:v1+s15+$0x0], $0xffff;
	v61 =	vmul.f32 v55, v10;
	v3 =	vadd.f32 v59, v3  }
0x14d: {  	v2 =	vld.idx.msk [tilespmem:v2+s16+$0x0], $0xffff  }
0x14e: {  	v62 =	vmul.f32 v58, v56;
	v3 =	vadd.f32 v61, v3;
	_ =	sdelay $0x1  }
0x14f: {  	v63 =	vmul.f32 v60, v7;
	v3 =	vadd.f32 v62, v3;
	_ =	sdelay $0x1  }
0x150: {  	v1 =	vmul.f32 v2, v1;
	v3 =	vadd.f32 v63, v3;
	_ =	sdelay $0x1  }
0x151: {  	s22 =	sadd.s32 $0x1, s22;
	v1 =	vadd.f32 v1, v3  }
0x152: {  	s23 =	sadd.s32 $0x10, s23;
	p0 =	sne.s32 s22, s10  }
.Ltmp2:
0x153: {  	[tilespmem:s23+$0x0] =	vst v1;
	(pc) =	sbr.rel @p0 .LBB2_1-.Ltmp2, $4  }
0x154: {  	[hbm4b:s9+s2] =	stream.linear.scatter [tilespmem:s21], [sflag:$0x3], $0x200, $0x38;
	[tilespmem:$0x10A00] =	vst v63  }
0x155: {  	_ =	swait.ge [sflag:s11], $0x200  }
0x156: {  	[sflag:s11] =	ssyncset.done $0x0  }
0x157: {  	[sflag:s11] =	ssyncadd.s32 $0xFFFFFE00  }
0x158: {  	_ =	sfence.sel $0x180000  }
0x159: {  	[bflag:$0x0] =	sbarrier.arrive $0xFFFF  }
0x15a: {  	p0 =	sne.s32 s1, $0x0;
	_ =	strace $0x90000047  }
0x15b: {  	s0 =	sadd.s32 @!p0 $0x100000, s0;
	[bflag:$0x2] =	sbarrier.arrive $0xFFFF  }
0x15c: {  	[sflag:s0] =	ssyncadd.tile.s32 @!p0 $0x1;
	_ =	shalt  }
.Lfunc_end2:
_tile_overlayer_lowered:
.L_overlay_start_2:
0x15d: {  	(tag) =	ssettag $0x2  }
0x15e: {  	s0 =	rddreg [dreg:$0x0];
	s2 =	stileid.u32  }
0x15f: {  	s1 =	rddreg [dreg:$0x1];
	p0 =	sne.s32 s2, $0x0  }
0x160: {  	s3 =	rddreg [dreg:$0x2];
	[bflag:$0x3] =	sbarrier.arrive $0xFFFF;
	s2 =	simm.s32 @!p0 $0x1C03  }
0x161: {  	[timem:s3], [sflag:s2] =	dma.local @!p0 [hbm:s0], s1  }
0x162: {  	s0 =	simm.s32 @!p0 $0x3  }
0x163: {  	_ =	swait.ge @!p0 [sflag:s0], s1  }
0x164: {  	s1 =	ssub.s32 @!p0 $0x0, s1;
	[sflag:s0] =	ssyncset.done @!p0 $0x0  }
0x165: {  	[sflag:s0] =	ssyncadd.s32 @!p0 s1  }
0x166: {  	[bflag:$0x3] =	sbarrier.arrive $0xFFFF  }
0x167: {  	_ =	shalt  }

</sc_bundles>
